<compile_context>
chip_gen: v7x
topology: tpu7x:2x2x1
jax: 0.10.2.dev20260603
libtpu: 0.0.44.dev20260713+nightly
codegen_flags: <defaults>
</compile_context>

<pallas_src>
import functools

import jax
import jax.numpy as jnp
from jax import lax
from jax.experimental import pallas as pl
from jax.experimental.pallas import tpu as pltpu
from jax.experimental.pallas import tpu_sc as plsc

N = 10000
E = 320000
H = 128

NC = 2
NS = 16
NW = NC * NS
CHUNK = 125
NCHUNK = 160
EPW_H = E // NW
NB = 10112
RPT = 632
OUT_ROWS = NS * RPT
ACC_ROWS = OUT_ROWS + 8

_ZERO16 = functools.partial(jnp.zeros, (16,), jnp.float32)


def _hist_body(dst_hbm, out_hbm, idx_v, hist_v):
    c = lax.axis_index("c")
    s = lax.axis_index("s")
    wid = s * NC + c
    pltpu.sync_copy(dst_hbm.at[wid], idx_v)

    def zero(k, _):
        hist_v[pl.ds(k * 16, 16)] = _ZERO16()
        return 0

    lax.fori_loop(0, NB // 16, zero, 0)

    ones = jnp.ones((16,), jnp.float32)

    def acc(k, _):
        idx = idx_v[pl.ds(k * 16, 16)]
        plsc.addupdate_scatter(hist_v, [idx], ones)
        return 0

    lax.fori_loop(0, EPW_H // 16, acc, 0)
    pltpu.sync_copy(hist_v, out_hbm.at[wid])


def _sc_hist(dst2):
    return pl.kernel(
        _hist_body,
        out_type=jax.ShapeDtypeStruct((NW, NB), jnp.float32),
        mesh=plsc.VectorSubcoreMesh(core_axis_name="c", subcore_axis_name="s"),
        compiler_params=pltpu.CompilerParams(needs_layout_passes=False),
        scratch_types=[
            pltpu.VMEM((EPW_H,), jnp.int32),
            pltpu.VMEM((NB,), jnp.float32),
        ],
    )(dst2)


NCHUNK_W = NCHUNK // NC


def _gs_body(xws_hbm, edges_hbm, out_hbm, src_v, dst_v, buf_v, gbuf_v, acc_sh,
             gsem, ssem):
    c = lax.axis_index("c")
    s = lax.axis_index("s")
    w = s * NC + c
    pltpu.sync_copy(edges_hbm.at[0, pl.ds(w * NCHUNK_W, NCHUNK_W)], src_v)
    pltpu.sync_copy(edges_hbm.at[1, pl.ds(w * NCHUNK_W, NCHUNK_W)], dst_v)

    def zbuf(k, _):
        buf_v[k // (H // 32), pl.ds((k % (H // 32)) * 32, 32)] = jnp.zeros(
            (32,), jnp.bfloat16
        )
        return 0

    lax.fori_loop(0, 128 * H // 32, zbuf, 0)
    for k in range(4):
        pltpu.sync_copy(buf_v.at[pl.ds(0, 128)],
                        acc_sh.at[pl.ds(s * RPT + k * 128, 128)])
    pltpu.sync_copy(
        buf_v.at[pl.ds(0, RPT - 4 * 128)],
        acc_sh.at[pl.ds(s * RPT + 4 * 128, RPT - 4 * 128)],
    )
    plsc.subcore_barrier()

    def g_desc(j, slot):
        return pltpu.make_async_copy(
            xws_hbm.at[src_v.at[j]], gbuf_v.at[slot], gsem
        )

    def s_desc(j, slot):
        return pltpu.make_async_copy(
            gbuf_v.at[slot], acc_sh.at[dst_v.at[j]], ssem
        )

    def fire_g(i, half):
        for t in range(K):
            g_desc(i * K + t, half * K + t).start()

    def drain_g(i, half):
        for t in range(K):
            g_desc(i * K + t, half * K + t).wait()

    def fire_s(i, half):
        for t in range(K):
            pltpu.async_copy(
                gbuf_v.at[half * K + t],
                acc_sh.at[dst_v.at[i * K + t]],
                ssem,
                add=True,
            )

    def drain_s(i, half):
        for t in range(K):
            s_desc(i * K + t, half * K + t).wait()

    fire_g(0, 0)

    def group(g, _):
        for p in range(2):
            i = g * 2 + p
            drain_g(i, p)

            @pl.when(i + 1 < NBATCH)
            def _():
                @pl.when(i >= 1)
                def _():
                    drain_s(i - 1, 1 - p)

                fire_g(i + 1, 1 - p)

            fire_s(i, p)
        return 0

    lax.fori_loop(0, NBATCH // 2, group, 0)
    drain_s(NBATCH - 2, 0 if (NBATCH - 2) % 2 == 0 else 1)
    drain_s(NBATCH - 1, (NBATCH - 1) % 2)
    plsc.subcore_barrier()
    pltpu.sync_copy(acc_sh.at[pl.ds(s * RPT, RPT)], out_hbm.at[c, pl.ds(s * RPT, RPT)])


K = 2
NBATCH = NCHUNK_W // K


def _sc_gather_scatter(xws_bf, edges3):
    return pl.kernel(
        _gs_body,
        out_type=jax.ShapeDtypeStruct((NC, OUT_ROWS, H), jnp.bfloat16),
        mesh=plsc.VectorSubcoreMesh(core_axis_name="c", subcore_axis_name="s"),
        compiler_params=pltpu.CompilerParams(
            needs_layout_passes=False, use_tc_tiling_on_sc=False
        ),
        scratch_types=[
            pltpu.VMEM((NCHUNK_W, CHUNK), jnp.int32),
            pltpu.VMEM((NCHUNK_W, CHUNK), jnp.int32),
            pltpu.VMEM((128, H), jnp.bfloat16),
            pltpu.VMEM((2 * K, CHUNK, H), jnp.bfloat16),
            pltpu.VMEM_SHARED((ACC_ROWS, H), jnp.bfloat16),
            pltpu.SemaphoreType.DMA,
            pltpu.SemaphoreType.DMA,
        ],
    )(xws_bf, edges3)


def _deg_inv(hist_ref):
    deg = jnp.sum(hist_ref[:, :N], axis=0) + 1.0
    return lax.rsqrt(deg)


def _mm_kernel(s0_ref, s1_ref, w0_ref, b0_ref, wg_ref, h1_ref, xw_ref):
    h1 = jnp.dot(s0_ref[...], w0_ref[...], preferred_element_type=jnp.float32)
    h1 = h1 + b0_ref[...][None, :] + s1_ref[...]
    h1_ref[...] = h1.astype(jnp.bfloat16)
    xw_ref[...] = jnp.dot(h1, wg_ref[...], preferred_element_type=jnp.float32)


def _tc_mm(s0, s1, W0, b0, Wg):
    return pl.pallas_call(
        _mm_kernel,
        out_shape=[
            jax.ShapeDtypeStruct((N, H), jnp.bfloat16),
            jax.ShapeDtypeStruct((N, H), jnp.float32),
        ],
    )(s0, s1, W0, b0, Wg)


def _scale_kernel(xw_ref, hist_ref, xws_ref):
    dinv = _deg_inv(hist_ref)
    xws_ref[...] = (xw_ref[...] * dinv[:, None]).astype(jnp.bfloat16)


def _tc_scale(xw, hist):
    return pl.pallas_call(
        _scale_kernel,
        out_shape=jax.ShapeDtypeStruct((N, H), jnp.bfloat16),
    )(xw, hist)


def _final_kernel(h1_ref, acc_ref, xws_ref, h0_ref, bg_ref, hist_ref, out_ref):
    dinv = _deg_inv(hist_ref)
    acc = (acc_ref[0, :N].astype(jnp.float32) + acc_ref[1, :N].astype(jnp.float32)
           + xws_ref[...].astype(jnp.float32))
    pre = dinv[:, None] * acc + bg_ref[...][None, :] + h0_ref[...]
    out_ref[...] = h1_ref[...].astype(jnp.float32) + jnp.maximum(pre, 0.0)


def _tc_final(h1, accs, xws_bf, h0, bg, hist):
    return pl.pallas_call(
        _final_kernel,
        out_shape=jax.ShapeDtypeStruct((N, H), jnp.float32),
    )(h1, accs, xws_bf, h0, bg, hist)


def kernel(s0, s1, edge_index, h0, W0, b0, Wg, bg):
    edges3 = edge_index.astype(jnp.int32).reshape(2, NS * NCHUNK, CHUNK)
    dst2 = edges3[1].reshape(NW, EPW_H)

    hist = _sc_hist(dst2)
    h1, xw = _tc_mm(s0, s1, W0, b0, Wg)
    xws_bf = _tc_scale(xw, hist)
    accs = _sc_gather_scatter(xws_bf, edges3)
    return _tc_final(h1, accs, xws_bf, h0, bg, hist)

# --- scband reference (transcript-rebuilt; emitter-appended) ---
"""Pipeline reference for scband-cell-78615081386175 (READ-ONLY COPY).

The authoritative reference and input builder live on the scoring server;
editing this copy changes nothing except your own understanding.
"""

import jax, jax.numpy as jnp
import numpy as np

N = 10000
E = 320000
F_IN = 128
H = 128


def setup_inputs(seed: int = 0) -> dict:
    key = jax.random.key(seed)
    ks = jax.random.split(key, 8)
    s0 = jax.random.normal(ks[0], (N, F_IN), dtype=jnp.float32)
    s1 = jax.random.normal(ks[1], (N, H), dtype=jnp.float32)
    h0 = jax.random.normal(ks[2], (N, H), dtype=jnp.float32)
    edge_index = jax.random.randint(ks[3], (2, E), 0, N, dtype=jnp.int64)
    # layer0: nn.Linear(num_feat, hidden_dim)
    W0 = jax.random.normal(ks[4], (F_IN, H), dtype=jnp.float32) * (1.0 / np.sqrt(F_IN))
    b0 = jnp.zeros((H,), dtype=jnp.float32)
    # GCNConv(hidden_dim, hidden_dim) weight + bias
    Wg = jax.random.normal(ks[5], (H, H), dtype=jnp.float32) * (1.0 / np.sqrt(H))
    bg = jnp.zeros((H,), dtype=jnp.float32)
    return {"s0": s0, "s1": s1, "edge_index": edge_index, "h0": h0,
            "W0": W0, "b0": b0, "Wg": Wg, "bg": bg}


def _gcn_conv(x, edge_index, Wg, bg):
    # PyG GCNConv: x' = D^{-1/2} (A + I) D^{-1/2} (x W) + b
    n = x.shape[0]
    xw = x @ Wg
    loop = jnp.arange(n, dtype=edge_index.dtype)
    src = jnp.concatenate([edge_index[0], loop])
    dst = jnp.concatenate([edge_index[1], loop])
    deg = jnp.zeros((n,), dtype=x.dtype).at[dst].add(1.0)
    dinv = jnp.where(deg > 0, deg ** -0.5, 0.0)
    norm = dinv[src] * dinv[dst]
    msgs = jnp.take(xw, src, axis=0) * norm[:, None]
    out = jnp.zeros_like(xw).at[dst].add(msgs)
    return out + bg


def reference(s0, s1, edge_index, h0, W0, b0, Wg, bg):
    # cell_index == 0 -> project raw features
    s0p = s0 @ W0 + b0
    features = [s0p, s1]
    # single layer: indices=[1,1], layer_agg='add', gnn='gcn', act='relu'
    h1 = features[0] + features[1]
    # dropout p=0.0 / eval mode -> identity
    s_premiere = _gcn_conv(h1, edge_index, Wg, bg)
    # GraphEhanced: mixed = s_premiere + h0; then relu
    s_enhanced = jax.nn.relu(s_premiere + h0)
    features.append(s_enhanced)
    # final concat == 'add'
    out = features[0] + features[1] + features[2]
    return out

if __name__ == "__main__":
    import jax
    _d = setup_inputs()
    print(jax.jit(kernel)(*tuple(_d.values())))

</pallas_src>

<mosaic_0001>
#map = affine_map<(d0, d1) -> (0, 0)>
module attributes {stable_mosaic.version = 14 : i64} {
  func.func @_hist_body(%arg0: i32, %arg1: i32, %arg2: memref<32x10000xi32, #tpu.memory_space<hbm>>, %arg3: memref<32x10112xf32, #tpu.memory_space<hbm>>, %arg4: memref<10000xi32, #tpu.memory_space<vmem>>, %arg5: memref<10112xf32, #tpu.memory_space<vmem>>) attributes {dimension_semantics = [#tpu.dimension_semantics<core_parallel>, #tpu.dimension_semantics<subcore_parallel>], iteration_bounds = array<i64: 2, 16>, scalar_prefetch = 0 : i64, scratch_operands = 2 : i64, tpu.core_type = #tpu.core_type<sc_vector_subcore>, window_params = [{transform_indices = #map}, {transform_indices = #map}]} {
    %mul3A = arith.constant 2 : i32
    %mul3A_0 = arith.muli %arg1, %mul3A : i32
    %add3A = arith.addi %mul3A_0, %arg0 : i32
    "tpu.region"() ({
      %run_scoped3A = tpu.sem_alloc : memref<!tpu.dma_semaphore, #tpu.memory_space<semaphore_mem>>
      %dma_start3A = arith.constant 0 : i32
      %dma_start3A_15 = tpu.memref_slice %arg2[%add3A, %dma_start3A] : memref<32x10000xi32, #tpu.memory_space<hbm>> -> memref<1x10000xi32, #tpu.memory_space<hbm>>
      %dma_start3A_16 = tpu.memref_squeeze %dma_start3A_15 : memref<1x10000xi32, #tpu.memory_space<hbm>> -> memref<10000xi32, #tpu.memory_space<hbm>>
      %dma_start3A_17 = arith.constant 0 : i32
      %dma_start3A_18 = tpu.memref_slice %arg2[%add3A, %dma_start3A_17] : memref<32x10000xi32, #tpu.memory_space<hbm>> -> memref<1x10000xi32, #tpu.memory_space<hbm>>
      %dma_start3A_19 = tpu.memref_squeeze %dma_start3A_18 : memref<1x10000xi32, #tpu.memory_space<hbm>> -> memref<10000xi32, #tpu.memory_space<hbm>>
      tpu.enqueue_dma source(%dma_start3A_19 : memref<10000xi32, #tpu.memory_space<hbm>>) target(%arg4 : memref<10000xi32, #tpu.memory_space<vmem>>) target_semaphore(%run_scoped3A : memref<!tpu.dma_semaphore, #tpu.memory_space<semaphore_mem>>)
      %dma_wait3A = arith.constant 0 : i32
      %dma_wait3A_20 = tpu.memref_slice %arg2[%add3A, %dma_wait3A] : memref<32x10000xi32, #tpu.memory_space<hbm>> -> memref<1x10000xi32, #tpu.memory_space<hbm>>
      %dma_wait3A_21 = tpu.memref_squeeze %dma_wait3A_20 : memref<1x10000xi32, #tpu.memory_space<hbm>> -> memref<10000xi32, #tpu.memory_space<hbm>>
      %dma_wait3A_22 = arith.constant 0 : i32
      %dma_wait3A_23 = tpu.memref_slice %arg2[%add3A, %dma_wait3A_22] : memref<32x10000xi32, #tpu.memory_space<hbm>> -> memref<1x10000xi32, #tpu.memory_space<hbm>>
      %dma_wait3A_24 = tpu.memref_squeeze %dma_wait3A_23 : memref<1x10000xi32, #tpu.memory_space<hbm>> -> memref<10000xi32, #tpu.memory_space<hbm>>
      tpu.wait_dma2 semaphore(%run_scoped3A : memref<!tpu.dma_semaphore, #tpu.memory_space<semaphore_mem>>) src(%dma_wait3A_24 : memref<10000xi32, #tpu.memory_space<hbm>>) dst(%arg4 : memref<10000xi32, #tpu.memory_space<vmem>>)
      tpu.yield
    }) : () -> ()
    %scan3A = arith.constant 0 : i32
    %scan3A_1 = arith.constant 0 : i32
    %scan3A_2 = arith.constant 632 : i32
    %scan3A_3 = arith.addi %scan3A_1, %scan3A_2 : i32
    %scan3A_4 = arith.constant 1 : i32
    %scan3A_5 = scf.for %scan3A_15 = %scan3A_1 to %scan3A_3 step %scan3A_4 iter_args(%scan3A_16 = %scan3A) -> (i32)  : i32 {
      %broadcast_in_dim3A_17 = arith.constant 0.000000e+00 : f32
      %broadcast_in_dim3A_18 = vector.broadcast %broadcast_in_dim3A_17 : f32 to vector<16xf32>
      %mul3A_19 = arith.constant 16 : i32
      %mul3A_20 = arith.muli %scan3A_15, %mul3A_19 : i32
      %swap3A = arith.index_cast %mul3A_20 : i32 to index
      %swap3A_21 = tpu.vector_load %arg5[%swap3A] {strides = array<i32>} : memref<10112xf32, #tpu.memory_space<vmem>>, vector<16xf32>,
      tpu.vector_store %arg5[%swap3A], %broadcast_in_dim3A_18 {strides = array<i32>} : memref<10112xf32, #tpu.memory_space<vmem>>, vector<16xf32>,
      %scan3A_22 = arith.constant 0 : i32
      scf.yield %scan3A_22 : i32
    }
    %scan3A_6 = arith.constant 632 : i32
    %broadcast_in_dim3A = arith.constant 1.000000e+00 : f32
    %broadcast_in_dim3A_7 = vector.broadcast %broadcast_in_dim3A : f32 to vector<16xf32>
    %scan3A_8 = arith.constant 0 : i32
    %scan3A_9 = arith.constant 0 : i32
    %scan3A_10 = arith.constant 625 : i32
    %scan3A_11 = arith.addi %scan3A_9, %scan3A_10 : i32
    %scan3A_12 = arith.constant 1 : i32
    %scan3A_13 = scf.for %scan3A_15 = %scan3A_9 to %scan3A_11 step %scan3A_12 iter_args(%scan3A_16 = %scan3A_8) -> (i32)  : i32 {
      %mul3A_17 = arith.constant 16 : i32
      %mul3A_18 = arith.muli %scan3A_15, %mul3A_17 : i32
      %get3A = arith.index_cast %mul3A_18 : i32 to index
      %get3A_19 = tpu.vector_load %arg4[%get3A] {strides = array<i32>} : memref<10000xi32, #tpu.memory_space<vmem>>, vector<16xi32>,
      tpu.vector_store_idx %arg5[%get3A_19], %broadcast_in_dim3A_7 {add = true} : memref<10112xf32, #tpu.memory_space<vmem>>[vector<16xi32>], vector<16xf32>,
      %scan3A_20 = arith.constant 0 : i32
      scf.yield %scan3A_20 : i32
    }
    %scan3A_14 = arith.constant 625 : i32
    "tpu.region"() ({
      %run_scoped3A = tpu.sem_alloc : memref<!tpu.dma_semaphore, #tpu.memory_space<semaphore_mem>>
      %dma_start3A = arith.constant 0 : i32
      %dma_start3A_15 = tpu.memref_slice %arg3[%add3A, %dma_start3A] : memref<32x10112xf32, #tpu.memory_space<hbm>> -> memref<1x10112xf32, #tpu.memory_space<hbm>>
      %dma_start3A_16 = tpu.memref_squeeze %dma_start3A_15 : memref<1x10112xf32, #tpu.memory_space<hbm>> -> memref<10112xf32, #tpu.memory_space<hbm>>
      %dma_start3A_17 = arith.constant 0 : i32
      %dma_start3A_18 = tpu.memref_slice %arg3[%add3A, %dma_start3A_17] : memref<32x10112xf32, #tpu.memory_space<hbm>> -> memref<1x10112xf32, #tpu.memory_space<hbm>>
      %dma_start3A_19 = tpu.memref_squeeze %dma_start3A_18 : memref<1x10112xf32, #tpu.memory_space<hbm>> -> memref<10112xf32, #tpu.memory_space<hbm>>
      tpu.enqueue_dma source(%arg5 : memref<10112xf32, #tpu.memory_space<vmem>>) target(%dma_start3A_19 : memref<10112xf32, #tpu.memory_space<hbm>>) target_semaphore(%run_scoped3A : memref<!tpu.dma_semaphore, #tpu.memory_space<semaphore_mem>>)
      %dma_wait3A = arith.constant 0 : i32
      %dma_wait3A_20 = tpu.memref_slice %arg3[%add3A, %dma_wait3A] : memref<32x10112xf32, #tpu.memory_space<hbm>> -> memref<1x10112xf32, #tpu.memory_space<hbm>>
      %dma_wait3A_21 = tpu.memref_squeeze %dma_wait3A_20 : memref<1x10112xf32, #tpu.memory_space<hbm>> -> memref<10112xf32, #tpu.memory_space<hbm>>
      %dma_wait3A_22 = arith.constant 0 : i32
      %dma_wait3A_23 = tpu.memref_slice %arg3[%add3A, %dma_wait3A_22] : memref<32x10112xf32, #tpu.memory_space<hbm>> -> memref<1x10112xf32, #tpu.memory_space<hbm>>
      %dma_wait3A_24 = tpu.memref_squeeze %dma_wait3A_23 : memref<1x10112xf32, #tpu.memory_space<hbm>> -> memref<10112xf32, #tpu.memory_space<hbm>>
      tpu.wait_dma2 semaphore(%run_scoped3A : memref<!tpu.dma_semaphore, #tpu.memory_space<semaphore_mem>>) src(%arg5 : memref<10112xf32, #tpu.memory_space<vmem>>) dst(%dma_wait3A_24 : memref<10112xf32, #tpu.memory_space<hbm>>)
      tpu.yield
    }) : () -> ()
    return
  }
}

#map = affine_map<(d0, d1) -> (0, 0)>
#map1 = affine_map<(d0, d1) -> (0, 0, 0)>
module attributes {stable_mosaic.version = 14 : i64} {
  func.func @_gs_body(%arg0: i32, %arg1: i32, %arg2: memref<10000x128xbf16, #tpu.memory_space<hbm>>, %arg3: memref<2x2560x125xi32, #tpu.memory_space<hbm>>, %arg4: memref<2x10112x128xbf16, #tpu.memory_space<hbm>>, %arg5: memref<80x125xi32, #tpu.memory_space<vmem>>, %arg6: memref<80x125xi32, #tpu.memory_space<vmem>>, %arg7: memref<128x128xbf16, #tpu.memory_space<vmem>>, %arg8: memref<4x125x128xbf16, #tpu.memory_space<vmem>>, %arg9: memref<10120x128xbf16, #tpu.memory_space<vmem_shared>>, %arg10: memref<!tpu.dma_semaphore, #tpu.memory_space<semaphore_mem>>, %arg11: memref<!tpu.dma_semaphore, #tpu.memory_space<semaphore_mem>>) attributes {dimension_semantics = [#tpu.dimension_semantics<core_parallel>, #tpu.dimension_semantics<subcore_parallel>], iteration_bounds = array<i64: 2, 16>, scalar_prefetch = 0 : i64, scratch_operands = 7 : i64, tpu.core_type = #tpu.core_type<sc_vector_subcore>, window_params = [{transform_indices = #map}, {transform_indices = #map1}, {transform_indices = #map1}]} {
    %mul3A = arith.constant 2 : i32
    %mul3A_0 = arith.muli %arg1, %mul3A : i32
    %add3A = arith.addi %mul3A_0, %arg0 : i32
    %mul3A_1 = arith.constant 80 : i32
    %mul3A_2 = arith.muli %add3A, %mul3A_1 : i32
    %run_scoped3A = arith.constant 0 : i32
    "tpu.region"() ({
      %run_scoped3A_114 = tpu.sem_alloc : memref<!tpu.dma_semaphore, #tpu.memory_space<semaphore_mem>>
      %dma_start3A_115 = arith.constant 0 : i32
      %dma_start3A_116 = tpu.memref_slice %arg3[%run_scoped3A, %mul3A_2, %dma_start3A_115] : memref<2x2560x125xi32, #tpu.memory_space<hbm>> -> memref<1x80x125xi32, #tpu.memory_space<hbm>>
      %dma_start3A_117 = tpu.memref_squeeze %dma_start3A_116 : memref<1x80x125xi32, #tpu.memory_space<hbm>> -> memref<80x125xi32, #tpu.memory_space<hbm>>
      %dma_start3A_118 = arith.constant 0 : i32
      %dma_start3A_119 = tpu.memref_slice %arg3[%run_scoped3A, %mul3A_2, %dma_start3A_118] : memref<2x2560x125xi32, #tpu.memory_space<hbm>> -> memref<1x80x125xi32, #tpu.memory_space<hbm>>
      %dma_start3A_120 = tpu.memref_squeeze %dma_start3A_119 : memref<1x80x125xi32, #tpu.memory_space<hbm>> -> memref<80x125xi32, #tpu.memory_space<hbm>>
      tpu.enqueue_dma source(%dma_start3A_120 : memref<80x125xi32, #tpu.memory_space<hbm>>) target(%arg5 : memref<80x125xi32, #tpu.memory_space<vmem>>) target_semaphore(%run_scoped3A_114 : memref<!tpu.dma_semaphore, #tpu.memory_space<semaphore_mem>>)
      %dma_wait3A_121 = arith.constant 0 : i32
      %dma_wait3A_122 = tpu.memref_slice %arg3[%run_scoped3A, %mul3A_2, %dma_wait3A_121] : memref<2x2560x125xi32, #tpu.memory_space<hbm>> -> memref<1x80x125xi32, #tpu.memory_space<hbm>>
      %dma_wait3A_123 = tpu.memref_squeeze %dma_wait3A_122 : memref<1x80x125xi32, #tpu.memory_space<hbm>> -> memref<80x125xi32, #tpu.memory_space<hbm>>
      %dma_wait3A_124 = arith.constant 0 : i32
      %dma_wait3A_125 = tpu.memref_slice %arg3[%run_scoped3A, %mul3A_2, %dma_wait3A_124] : memref<2x2560x125xi32, #tpu.memory_space<hbm>> -> memref<1x80x125xi32, #tpu.memory_space<hbm>>
      %dma_wait3A_126 = tpu.memref_squeeze %dma_wait3A_125 : memref<1x80x125xi32, #tpu.memory_space<hbm>> -> memref<80x125xi32, #tpu.memory_space<hbm>>
      tpu.wait_dma2 semaphore(%run_scoped3A_114 : memref<!tpu.dma_semaphore, #tpu.memory_space<semaphore_mem>>) src(%dma_wait3A_126 : memref<80x125xi32, #tpu.memory_space<hbm>>) dst(%arg5 : memref<80x125xi32, #tpu.memory_space<vmem>>)
      tpu.yield
    }) : () -> ()
    %mul3A_3 = arith.constant 80 : i32
    %mul3A_4 = arith.muli %add3A, %mul3A_3 : i32
    %run_scoped3A_5 = arith.constant 1 : i32
    "tpu.region"() ({
      %run_scoped3A_114 = tpu.sem_alloc : memref<!tpu.dma_semaphore, #tpu.memory_space<semaphore_mem>>
      %dma_start3A_115 = arith.constant 0 : i32
      %dma_start3A_116 = tpu.memref_slice %arg3[%run_scoped3A_5, %mul3A_4, %dma_start3A_115] : memref<2x2560x125xi32, #tpu.memory_space<hbm>> -> memref<1x80x125xi32, #tpu.memory_space<hbm>>
      %dma_start3A_117 = tpu.memref_squeeze %dma_start3A_116 : memref<1x80x125xi32, #tpu.memory_space<hbm>> -> memref<80x125xi32, #tpu.memory_space<hbm>>
      %dma_start3A_118 = arith.constant 0 : i32
      %dma_start3A_119 = tpu.memref_slice %arg3[%run_scoped3A_5, %mul3A_4, %dma_start3A_118] : memref<2x2560x125xi32, #tpu.memory_space<hbm>> -> memref<1x80x125xi32, #tpu.memory_space<hbm>>
      %dma_start3A_120 = tpu.memref_squeeze %dma_start3A_119 : memref<1x80x125xi32, #tpu.memory_space<hbm>> -> memref<80x125xi32, #tpu.memory_space<hbm>>
      tpu.enqueue_dma source(%dma_start3A_120 : memref<80x125xi32, #tpu.memory_space<hbm>>) target(%arg6 : memref<80x125xi32, #tpu.memory_space<vmem>>) target_semaphore(%run_scoped3A_114 : memref<!tpu.dma_semaphore, #tpu.memory_space<semaphore_mem>>)
      %dma_wait3A_121 = arith.constant 0 : i32
      %dma_wait3A_122 = tpu.memref_slice %arg3[%run_scoped3A_5, %mul3A_4, %dma_wait3A_121] : memref<2x2560x125xi32, #tpu.memory_space<hbm>> -> memref<1x80x125xi32, #tpu.memory_space<hbm>>
      %dma_wait3A_123 = tpu.memref_squeeze %dma_wait3A_122 : memref<1x80x125xi32, #tpu.memory_space<hbm>> -> memref<80x125xi32, #tpu.memory_space<hbm>>
      %dma_wait3A_124 = arith.constant 0 : i32
      %dma_wait3A_125 = tpu.memref_slice %arg3[%run_scoped3A_5, %mul3A_4, %dma_wait3A_124] : memref<2x2560x125xi32, #tpu.memory_space<hbm>> -> memref<1x80x125xi32, #tpu.memory_space<hbm>>
      %dma_wait3A_126 = tpu.memref_squeeze %dma_wait3A_125 : memref<1x80x125xi32, #tpu.memory_space<hbm>> -> memref<80x125xi32, #tpu.memory_space<hbm>>
      tpu.wait_dma2 semaphore(%run_scoped3A_114 : memref<!tpu.dma_semaphore, #tpu.memory_space<semaphore_mem>>) src(%dma_wait3A_126 : memref<80x125xi32, #tpu.memory_space<hbm>>) dst(%arg6 : memref<80x125xi32, #tpu.memory_space<vmem>>)
      tpu.yield
    }) : () -> ()
    %scan3A = arith.constant 0 : i32
    %scan3A_6 = arith.constant 0 : i32
    %scan3A_7 = arith.constant 512 : i32
    %scan3A_8 = arith.addi %scan3A_6, %scan3A_7 : i32
    %scan3A_9 = arith.constant 1 : i32
    %scan3A_10 = scf.for %scan3A_114 = %scan3A_6 to %scan3A_8 step %scan3A_9 iter_args(%scan3A_115 = %scan3A) -> (i32)  : i32 {
      %broadcast_in_dim3A = arith.constant 0.000000e+00 : bf16
      %broadcast_in_dim3A_116 = vector.broadcast %broadcast_in_dim3A : bf16 to vector<32xbf16>
      %jit3A = arith.constant 4 : i32
      %div3A = arith.divsi %scan3A_114, %jit3A : i32
      %sign3A = arith.constant 0 : i32
      %sign3A_117 = arith.cmpi sgt, %scan3A_114, %sign3A : i32
      %sign3A_118 = arith.extui %sign3A_117 : i1 to i32
      %sign3A_119 = arith.constant 0 : i32
      %sign3A_120 = arith.cmpi slt, %scan3A_114, %sign3A_119 : i32
      %sign3A_121 = arith.extui %sign3A_120 : i1 to i32
      %sign3A_122 = arith.subi %sign3A_118, %sign3A_121 : i32
      %sign3A_123 = arith.constant 0 : i32
      %sign3A_124 = arith.cmpi sgt, %jit3A, %sign3A_123 : i32
      %sign3A_125 = arith.extui %sign3A_124 : i1 to i32
      %sign3A_126 = arith.constant 0 : i32
      %sign3A_127 = arith.cmpi slt, %jit3A, %sign3A_126 : i32
      %sign3A_128 = arith.extui %sign3A_127 : i1 to i32
      %sign3A_129 = arith.subi %sign3A_125, %sign3A_128 : i32
      %ne3A = arith.cmpi ne, %sign3A_122, %sign3A_129 : i32
      %rem3A = arith.remsi %scan3A_114, %jit3A : i32
      %ne3A_130 = arith.constant 0 : i32
      %ne3A_131 = arith.cmpi ne, %rem3A, %ne3A_130 : i32
      %and3A = arith.andi %ne3A, %ne3A_131 : i1
      %sub3A = arith.constant 1 : i32
      %sub3A_132 = arith.subi %div3A, %sub3A : i32
      %select_n3A = arith.select %and3A, %sub3A_132, %div3A : i32
      %jit3A_133 = arith.constant 4 : i32
      %eq3A = arith.constant 0 : i32
      %eq3A_134 = arith.cmpi eq, %jit3A_133, %eq3A : i32
      %jit3A_135 = arith.constant 1 : i32
      %select_n3A_136 = arith.select %eq3A_134, %jit3A_135, %jit3A_133 : i32
      %rem3A_137 = arith.remsi %scan3A_114, %select_n3A_136 : i32
      %ne3A_138 = arith.constant 0 : i32
      %ne3A_139 = arith.cmpi ne, %rem3A_137, %ne3A_138 : i32
      %lt3A = arith.constant 0 : i32
      %lt3A_140 = arith.cmpi slt, %rem3A_137, %lt3A : i32
      %lt3A_141 = arith.constant 0 : i32
      %lt3A_142 = arith.cmpi slt, %select_n3A_136, %lt3A_141 : i32
      %ne3A_143 = arith.xori %lt3A_140, %lt3A_142 : i1
      %and3A_144 = arith.andi %ne3A_143, %ne3A_139 : i1
      %add3A_145 = arith.addi %rem3A_137, %select_n3A_136 : i32
      %select_n3A_146 = arith.select %and3A_144, %add3A_145, %rem3A_137 : i32
      %mul3A_147 = arith.constant 32 : i32
      %mul3A_148 = arith.muli %select_n3A_146, %mul3A_147 : i32
      %swap3A = arith.index_cast %select_n3A : i32 to index
      %swap3A_149 = arith.index_cast %mul3A_148 : i32 to index
      %swap3A_150 = tpu.vector_load %arg7[%swap3A, %swap3A_149] {strides = array<i32>} : memref<128x128xbf16, #tpu.memory_space<vmem>>, vector<32xbf16>,
      tpu.vector_store %arg7[%swap3A, %swap3A_149], %broadcast_in_dim3A_116 {strides = array<i32>} : memref<128x128xbf16, #tpu.memory_space<vmem>>, vector<32xbf16>,
      %scan3A_151 = arith.constant 0 : i32
      scf.yield %scan3A_151 : i32
    }
    %scan3A_11 = arith.constant 512 : i32
    %mul3A_12 = arith.constant 632 : i32
    %mul3A_13 = arith.muli %arg1, %mul3A_12 : i32
    %add3A_14 = arith.constant 0 : i32
    %add3A_15 = arith.addi %mul3A_13, %add3A_14 : i32
    "tpu.region"() ({
      %run_scoped3A_114 = tpu.sem_alloc : memref<!tpu.dma_semaphore, #tpu.memory_space<semaphore_mem>>
      %dma_start3A_115 = arith.constant 0 : i32
      %dma_start3A_116 = arith.constant 0 : i32
      %dma_start3A_117 = tpu.memref_slice %arg7[%dma_start3A_115, %dma_start3A_116] : memref<128x128xbf16, #tpu.memory_space<vmem>> -> memref<128x128xbf16, #tpu.memory_space<vmem>>
      %dma_start3A_118 = arith.constant 0 : i32
      %dma_start3A_119 = tpu.memref_slice %arg9[%add3A_15, %dma_start3A_118] : memref<10120x128xbf16, #tpu.memory_space<vmem_shared>> -> memref<128x128xbf16, #tpu.memory_space<vmem_shared>>
      %dma_start3A_120 = arith.constant 0 : i32
      %dma_start3A_121 = tpu.memref_slice %arg9[%add3A_15, %dma_start3A_120] : memref<10120x128xbf16, #tpu.memory_space<vmem_shared>> -> memref<128x128xbf16, #tpu.memory_space<vmem_shared>>
      %dma_start3A_122 = arith.constant 0 : i32
      %dma_start3A_123 = arith.constant 0 : i32
      %dma_start3A_124 = tpu.memref_slice %arg7[%dma_start3A_122, %dma_start3A_123] : memref<128x128xbf16, #tpu.memory_space<vmem>> -> memref<128x128xbf16, #tpu.memory_space<vmem>>
      tpu.enqueue_dma source(%dma_start3A_124 : memref<128x128xbf16, #tpu.memory_space<vmem>>) target(%dma_start3A_121 : memref<128x128xbf16, #tpu.memory_space<vmem_shared>>) target_semaphore(%run_scoped3A_114 : memref<!tpu.dma_semaphore, #tpu.memory_space<semaphore_mem>>)
      %dma_wait3A_125 = arith.constant 0 : i32
      %dma_wait3A_126 = arith.constant 0 : i32
      %dma_wait3A_127 = tpu.memref_slice %arg7[%dma_wait3A_125, %dma_wait3A_126] : memref<128x128xbf16, #tpu.memory_space<vmem>> -> memref<128x128xbf16, #tpu.memory_space<vmem>>
      %dma_wait3A_128 = arith.constant 0 : i32
      %dma_wait3A_129 = tpu.memref_slice %arg9[%add3A_15, %dma_wait3A_128] : memref<10120x128xbf16, #tpu.memory_space<vmem_shared>> -> memref<128x128xbf16, #tpu.memory_space<vmem_shared>>
      %dma_wait3A_130 = arith.constant 0 : i32
      %dma_wait3A_131 = tpu.memref_slice %arg9[%add3A_15, %dma_wait3A_130] : memref<10120x128xbf16, #tpu.memory_space<vmem_shared>> -> memref<128x128xbf16, #tpu.memory_space<vmem_shared>>
      %dma_wait3A_132 = arith.constant 0 : i32
      %dma_wait3A_133 = arith.constant 0 : i32
      %dma_wait3A_134 = tpu.memref_slice %arg7[%dma_wait3A_132, %dma_wait3A_133] : memref<128x128xbf16, #tpu.memory_space<vmem>> -> memref<128x128xbf16, #tpu.memory_space<vmem>>
      tpu.wait_dma2 semaphore(%run_scoped3A_114 : memref<!tpu.dma_semaphore, #tpu.memory_space<semaphore_mem>>) src(%dma_wait3A_134 : memref<128x128xbf16, #tpu.memory_space<vmem>>) dst(%dma_wait3A_131 : memref<128x128xbf16, #tpu.memory_space<vmem_shared>>)
      tpu.yield
    }) : () -> ()
    %mul3A_16 = arith.constant 632 : i32
    %mul3A_17 = arith.muli %arg1, %mul3A_16 : i32
    %add3A_18 = arith.constant 128 : i32
    %add3A_19 = arith.addi %mul3A_17, %add3A_18 : i32
    "tpu.region"() ({
      %run_scoped3A_114 = tpu.sem_alloc : memref<!tpu.dma_semaphore, #tpu.memory_space<semaphore_mem>>
      %dma_start3A_115 = arith.constant 0 : i32
      %dma_start3A_116 = arith.constant 0 : i32
      %dma_start3A_117 = tpu.memref_slice %arg7[%dma_start3A_115, %dma_start3A_116] : memref<128x128xbf16, #tpu.memory_space<vmem>> -> memref<128x128xbf16, #tpu.memory_space<vmem>>
      %dma_start3A_118 = arith.constant 0 : i32
      %dma_start3A_119 = tpu.memref_slice %arg9[%add3A_19, %dma_start3A_118] : memref<10120x128xbf16, #tpu.memory_space<vmem_shared>> -> memref<128x128xbf16, #tpu.memory_space<vmem_shared>>
      %dma_start3A_120 = arith.constant 0 : i32
      %dma_start3A_121 = tpu.memref_slice %arg9[%add3A_19, %dma_start3A_120] : memref<10120x128xbf16, #tpu.memory_space<vmem_shared>> -> memref<128x128xbf16, #tpu.memory_space<vmem_shared>>
      %dma_start3A_122 = arith.constant 0 : i32
      %dma_start3A_123 = arith.constant 0 : i32
      %dma_start3A_124 = tpu.memref_slice %arg7[%dma_start3A_122, %dma_start3A_123] : memref<128x128xbf16, #tpu.memory_space<vmem>> -> memref<128x128xbf16, #tpu.memory_space<vmem>>
      tpu.enqueue_dma source(%dma_start3A_124 : memref<128x128xbf16, #tpu.memory_space<vmem>>) target(%dma_start3A_121 : memref<128x128xbf16, #tpu.memory_space<vmem_shared>>) target_semaphore(%run_scoped3A_114 : memref<!tpu.dma_semaphore, #tpu.memory_space<semaphore_mem>>)
      %dma_wait3A_125 = arith.constant 0 : i32
      %dma_wait3A_126 = arith.constant 0 : i32
      %dma_wait3A_127 = tpu.memref_slice %arg7[%dma_wait3A_125, %dma_wait3A_126] : memref<128x128xbf16, #tpu.memory_space<vmem>> -> memref<128x128xbf16, #tpu.memory_space<vmem>>
      %dma_wait3A_128 = arith.constant 0 : i32
      %dma_wait3A_129 = tpu.memref_slice %arg9[%add3A_19, %dma_wait3A_128] : memref<10120x128xbf16, #tpu.memory_space<vmem_shared>> -> memref<128x128xbf16, #tpu.memory_space<vmem_shared>>
      %dma_wait3A_130 = arith.constant 0 : i32
      %dma_wait3A_131 = tpu.memref_slice %arg9[%add3A_19, %dma_wait3A_130] : memref<10120x128xbf16, #tpu.memory_space<vmem_shared>> -> memref<128x128xbf16, #tpu.memory_space<vmem_shared>>
      %dma_wait3A_132 = arith.constant 0 : i32
      %dma_wait3A_133 = arith.constant 0 : i32
      %dma_wait3A_134 = tpu.memref_slice %arg7[%dma_wait3A_132, %dma_wait3A_133] : memref<128x128xbf16, #tpu.memory_space<vmem>> -> memref<128x128xbf16, #tpu.memory_space<vmem>>
      tpu.wait_dma2 semaphore(%run_scoped3A_114 : memref<!tpu.dma_semaphore, #tpu.memory_space<semaphore_mem>>) src(%dma_wait3A_134 : memref<128x128xbf16, #tpu.memory_space<vmem>>) dst(%dma_wait3A_131 : memref<128x128xbf16, #tpu.memory_space<vmem_shared>>)
      tpu.yield
    }) : () -> ()
    %mul3A_20 = arith.constant 632 : i32
    %mul3A_21 = arith.muli %arg1, %mul3A_20 : i32
    %add3A_22 = arith.constant 256 : i32
    %add3A_23 = arith.addi %mul3A_21, %add3A_22 : i32
    "tpu.region"() ({
      %run_scoped3A_114 = tpu.sem_alloc : memref<!tpu.dma_semaphore, #tpu.memory_space<semaphore_mem>>
      %dma_start3A_115 = arith.constant 0 : i32
      %dma_start3A_116 = arith.constant 0 : i32
      %dma_start3A_117 = tpu.memref_slice %arg7[%dma_start3A_115, %dma_start3A_116] : memref<128x128xbf16, #tpu.memory_space<vmem>> -> memref<128x128xbf16, #tpu.memory_space<vmem>>
      %dma_start3A_118 = arith.constant 0 : i32
      %dma_start3A_119 = tpu.memref_slice %arg9[%add3A_23, %dma_start3A_118] : memref<10120x128xbf16, #tpu.memory_space<vmem_shared>> -> memref<128x128xbf16, #tpu.memory_space<vmem_shared>>
      %dma_start3A_120 = arith.constant 0 : i32
      %dma_start3A_121 = tpu.memref_slice %arg9[%add3A_23, %dma_start3A_120] : memref<10120x128xbf16, #tpu.memory_space<vmem_shared>> -> memref<128x128xbf16, #tpu.memory_space<vmem_shared>>
      %dma_start3A_122 = arith.constant 0 : i32
      %dma_start3A_123 = arith.constant 0 : i32
      %dma_start3A_124 = tpu.memref_slice %arg7[%dma_start3A_122, %dma_start3A_123] : memref<128x128xbf16, #tpu.memory_space<vmem>> -> memref<128x128xbf16, #tpu.memory_space<vmem>>
      tpu.enqueue_dma source(%dma_start3A_124 : memref<128x128xbf16, #tpu.memory_space<vmem>>) target(%dma_start3A_121 : memref<128x128xbf16, #tpu.memory_space<vmem_shared>>) target_semaphore(%run_scoped3A_114 : memref<!tpu.dma_semaphore, #tpu.memory_space<semaphore_mem>>)
      %dma_wait3A_125 = arith.constant 0 : i32
      %dma_wait3A_126 = arith.constant 0 : i32
      %dma_wait3A_127 = tpu.memref_slice %arg7[%dma_wait3A_125, %dma_wait3A_126] : memref<128x128xbf16, #tpu.memory_space<vmem>> -> memref<128x128xbf16, #tpu.memory_space<vmem>>
      %dma_wait3A_128 = arith.constant 0 : i32
      %dma_wait3A_129 = tpu.memref_slice %arg9[%add3A_23, %dma_wait3A_128] : memref<10120x128xbf16, #tpu.memory_space<vmem_shared>> -> memref<128x128xbf16, #tpu.memory_space<vmem_shared>>
      %dma_wait3A_130 = arith.constant 0 : i32
      %dma_wait3A_131 = tpu.memref_slice %arg9[%add3A_23, %dma_wait3A_130] : memref<10120x128xbf16, #tpu.memory_space<vmem_shared>> -> memref<128x128xbf16, #tpu.memory_space<vmem_shared>>
      %dma_wait3A_132 = arith.constant 0 : i32
      %dma_wait3A_133 = arith.constant 0 : i32
      %dma_wait3A_134 = tpu.memref_slice %arg7[%dma_wait3A_132, %dma_wait3A_133] : memref<128x128xbf16, #tpu.memory_space<vmem>> -> memref<128x128xbf16, #tpu.memory_space<vmem>>
      tpu.wait_dma2 semaphore(%run_scoped3A_114 : memref<!tpu.dma_semaphore, #tpu.memory_space<semaphore_mem>>) src(%dma_wait3A_134 : memref<128x128xbf16, #tpu.memory_space<vmem>>) dst(%dma_wait3A_131 : memref<128x128xbf16, #tpu.memory_space<vmem_shared>>)
      tpu.yield
    }) : () -> ()
    %mul3A_24 = arith.constant 632 : i32
    %mul3A_25 = arith.muli %arg1, %mul3A_24 : i32
    %add3A_26 = arith.constant 384 : i32
    %add3A_27 = arith.addi %mul3A_25, %add3A_26 : i32
    "tpu.region"() ({
      %run_scoped3A_114 = tpu.sem_alloc : memref<!tpu.dma_semaphore, #tpu.memory_space<semaphore_mem>>
      %dma_start3A_115 = arith.constant 0 : i32
      %dma_start3A_116 = arith.constant 0 : i32
      %dma_start3A_117 = tpu.memref_slice %arg7[%dma_start3A_115, %dma_start3A_116] : memref<128x128xbf16, #tpu.memory_space<vmem>> -> memref<128x128xbf16, #tpu.memory_space<vmem>>
      %dma_start3A_118 = arith.constant 0 : i32
      %dma_start3A_119 = tpu.memref_slice %arg9[%add3A_27, %dma_start3A_118] : memref<10120x128xbf16, #tpu.memory_space<vmem_shared>> -> memref<128x128xbf16, #tpu.memory_space<vmem_shared>>
      %dma_start3A_120 = arith.constant 0 : i32
      %dma_start3A_121 = tpu.memref_slice %arg9[%add3A_27, %dma_start3A_120] : memref<10120x128xbf16, #tpu.memory_space<vmem_shared>> -> memref<128x128xbf16, #tpu.memory_space<vmem_shared>>
      %dma_start3A_122 = arith.constant 0 : i32
      %dma_start3A_123 = arith.constant 0 : i32
      %dma_start3A_124 = tpu.memref_slice %arg7[%dma_start3A_122, %dma_start3A_123] : memref<128x128xbf16, #tpu.memory_space<vmem>> -> memref<128x128xbf16, #tpu.memory_space<vmem>>
      tpu.enqueue_dma source(%dma_start3A_124 : memref<128x128xbf16, #tpu.memory_space<vmem>>) target(%dma_start3A_121 : memref<128x128xbf16, #tpu.memory_space<vmem_shared>>) target_semaphore(%run_scoped3A_114 : memref<!tpu.dma_semaphore, #tpu.memory_space<semaphore_mem>>)
      %dma_wait3A_125 = arith.constant 0 : i32
      %dma_wait3A_126 = arith.constant 0 : i32
      %dma_wait3A_127 = tpu.memref_slice %arg7[%dma_wait3A_125, %dma_wait3A_126] : memref<128x128xbf16, #tpu.memory_space<vmem>> -> memref<128x128xbf16, #tpu.memory_space<vmem>>
      %dma_wait3A_128 = arith.constant 0 : i32
      %dma_wait3A_129 = tpu.memref_slice %arg9[%add3A_27, %dma_wait3A_128] : memref<10120x128xbf16, #tpu.memory_space<vmem_shared>> -> memref<128x128xbf16, #tpu.memory_space<vmem_shared>>
      %dma_wait3A_130 = arith.constant 0 : i32
      %dma_wait3A_131 = tpu.memref_slice %arg9[%add3A_27, %dma_wait3A_130] : memref<10120x128xbf16, #tpu.memory_space<vmem_shared>> -> memref<128x128xbf16, #tpu.memory_space<vmem_shared>>
      %dma_wait3A_132 = arith.constant 0 : i32
      %dma_wait3A_133 = arith.constant 0 : i32
      %dma_wait3A_134 = tpu.memref_slice %arg7[%dma_wait3A_132, %dma_wait3A_133] : memref<128x128xbf16, #tpu.memory_space<vmem>> -> memref<128x128xbf16, #tpu.memory_space<vmem>>
      tpu.wait_dma2 semaphore(%run_scoped3A_114 : memref<!tpu.dma_semaphore, #tpu.memory_space<semaphore_mem>>) src(%dma_wait3A_134 : memref<128x128xbf16, #tpu.memory_space<vmem>>) dst(%dma_wait3A_131 : memref<128x128xbf16, #tpu.memory_space<vmem_shared>>)
      tpu.yield
    }) : () -> ()
    %mul3A_28 = arith.constant 632 : i32
    %mul3A_29 = arith.muli %arg1, %mul3A_28 : i32
    %add3A_30 = arith.constant 512 : i32
    %add3A_31 = arith.addi %mul3A_29, %add3A_30 : i32
    "tpu.region"() ({
      %run_scoped3A_114 = tpu.sem_alloc : memref<!tpu.dma_semaphore, #tpu.memory_space<semaphore_mem>>
      %dma_start3A_115 = arith.constant 0 : i32
      %dma_start3A_116 = arith.constant 0 : i32
      %dma_start3A_117 = tpu.memref_slice %arg7[%dma_start3A_115, %dma_start3A_116] : memref<128x128xbf16, #tpu.memory_space<vmem>> -> memref<120x128xbf16, #tpu.memory_space<vmem>>
      %dma_start3A_118 = arith.constant 0 : i32
      %dma_start3A_119 = tpu.memref_slice %arg9[%add3A_31, %dma_start3A_118] : memref<10120x128xbf16, #tpu.memory_space<vmem_shared>> -> memref<120x128xbf16, #tpu.memory_space<vmem_shared>>
      %dma_start3A_120 = arith.constant 0 : i32
      %dma_start3A_121 = tpu.memref_slice %arg9[%add3A_31, %dma_start3A_120] : memref<10120x128xbf16, #tpu.memory_space<vmem_shared>> -> memref<120x128xbf16, #tpu.memory_space<vmem_shared>>
      %dma_start3A_122 = arith.constant 0 : i32
      %dma_start3A_123 = arith.constant 0 : i32
      %dma_start3A_124 = tpu.memref_slice %arg7[%dma_start3A_122, %dma_start3A_123] : memref<128x128xbf16, #tpu.memory_space<vmem>> -> memref<120x128xbf16, #tpu.memory_space<vmem>>
      tpu.enqueue_dma source(%dma_start3A_124 : memref<120x128xbf16, #tpu.memory_space<vmem>>) target(%dma_start3A_121 : memref<120x128xbf16, #tpu.memory_space<vmem_shared>>) target_semaphore(%run_scoped3A_114 : memref<!tpu.dma_semaphore, #tpu.memory_space<semaphore_mem>>)
      %dma_wait3A_125 = arith.constant 0 : i32
      %dma_wait3A_126 = arith.constant 0 : i32
      %dma_wait3A_127 = tpu.memref_slice %arg7[%dma_wait3A_125, %dma_wait3A_126] : memref<128x128xbf16, #tpu.memory_space<vmem>> -> memref<120x128xbf16, #tpu.memory_space<vmem>>
      %dma_wait3A_128 = arith.constant 0 : i32
      %dma_wait3A_129 = tpu.memref_slice %arg9[%add3A_31, %dma_wait3A_128] : memref<10120x128xbf16, #tpu.memory_space<vmem_shared>> -> memref<120x128xbf16, #tpu.memory_space<vmem_shared>>
      %dma_wait3A_130 = arith.constant 0 : i32
      %dma_wait3A_131 = tpu.memref_slice %arg9[%add3A_31, %dma_wait3A_130] : memref<10120x128xbf16, #tpu.memory_space<vmem_shared>> -> memref<120x128xbf16, #tpu.memory_space<vmem_shared>>
      %dma_wait3A_132 = arith.constant 0 : i32
      %dma_wait3A_133 = arith.constant 0 : i32
      %dma_wait3A_134 = tpu.memref_slice %arg7[%dma_wait3A_132, %dma_wait3A_133] : memref<128x128xbf16, #tpu.memory_space<vmem>> -> memref<120x128xbf16, #tpu.memory_space<vmem>>
      tpu.wait_dma2 semaphore(%run_scoped3A_114 : memref<!tpu.dma_semaphore, #tpu.memory_space<semaphore_mem>>) src(%dma_wait3A_134 : memref<120x128xbf16, #tpu.memory_space<vmem>>) dst(%dma_wait3A_131 : memref<120x128xbf16, #tpu.memory_space<vmem_shared>>)
      tpu.yield
    }) : () -> ()
    %barrier3A = arith.constant 0 : index
    tpu.barrier barrier_id(%barrier3A)
    %dma_start3A = arith.constant 0 : i32
    %dma_start3A_32 = arith.constant 0 : i32
    %dma_start3A_33 = arith.constant 0 : i32
    %dma_start3A_34 = arith.constant 0 : i32
    %dma_start3A_35 = tpu.memref_slice %arg8[%dma_start3A_32, %dma_start3A_33, %dma_start3A_34] : memref<4x125x128xbf16, #tpu.memory_space<vmem>> -> memref<1x125x128xbf16, #tpu.memory_space<vmem>>
    %dma_start3A_36 = tpu.memref_squeeze %dma_start3A_35 : memref<1x125x128xbf16, #tpu.memory_space<vmem>> -> memref<125x128xbf16, #tpu.memory_space<vmem>>
    %dma_start3A_37 = arith.constant 0 : i32
    %dma_start3A_38 = tpu.memref_slice %arg5[%dma_start3A, %dma_start3A_37] : memref<80x125xi32, #tpu.memory_space<vmem>> -> memref<1x125xi32, #tpu.memory_space<vmem>>
    %dma_start3A_39 = tpu.memref_squeeze %dma_start3A_38 : memref<1x125xi32, #tpu.memory_space<vmem>> -> memref<125xi32, #tpu.memory_space<vmem>>
    %dma_start3A_40 = arith.constant 0 : i32
    %dma_start3A_41 = arith.constant 0 : i32
    %dma_start3A_42 = tpu.memref_slice %arg2[%dma_start3A_40, %dma_start3A_41] : memref<10000x128xbf16, #tpu.memory_space<hbm>> -> memref<10000x128xbf16, #tpu.memory_space<hbm>>
    tpu.enqueue_indirect_dma source(%dma_start3A_42 : memref<10000x128xbf16, #tpu.memory_space<hbm>>) target(%dma_start3A_36 : memref<125x128xbf16, #tpu.memory_space<vmem>>) offsets(%dma_start3A_39 : memref<125xi32, #tpu.memory_space<vmem>>) semaphore(%arg10 : memref<!tpu.dma_semaphore, #tpu.memory_space<semaphore_mem>>)
    %dma_start3A_43 = arith.constant 1 : i32
    %dma_start3A_44 = arith.constant 1 : i32
    %dma_start3A_45 = arith.constant 0 : i32
    %dma_start3A_46 = arith.constant 0 : i32
    %dma_start3A_47 = tpu.memref_slice %arg8[%dma_start3A_44, %dma_start3A_45, %dma_start3A_46] : memref<4x125x128xbf16, #tpu.memory_space<vmem>> -> memref<1x125x128xbf16, #tpu.memory_space<vmem>>
    %dma_start3A_48 = tpu.memref_squeeze %dma_start3A_47 : memref<1x125x128xbf16, #tpu.memory_space<vmem>> -> memref<125x128xbf16, #tpu.memory_space<vmem>>
    %dma_start3A_49 = arith.constant 0 : i32
    %dma_start3A_50 = tpu.memref_slice %arg5[%dma_start3A_43, %dma_start3A_49] : memref<80x125xi32, #tpu.memory_space<vmem>> -> memref<1x125xi32, #tpu.memory_space<vmem>>
    %dma_start3A_51 = tpu.memref_squeeze %dma_start3A_50 : memref<1x125xi32, #tpu.memory_space<vmem>> -> memref<125xi32, #tpu.memory_space<vmem>>
    %dma_start3A_52 = arith.constant 0 : i32
    %dma_start3A_53 = arith.constant 0 : i32
    %dma_start3A_54 = tpu.memref_slice %arg2[%dma_start3A_52, %dma_start3A_53] : memref<10000x128xbf16, #tpu.memory_space<hbm>> -> memref<10000x128xbf16, #tpu.memory_space<hbm>>
    tpu.enqueue_indirect_dma source(%dma_start3A_54 : memref<10000x128xbf16, #tpu.memory_space<hbm>>) target(%dma_start3A_48 : memref<125x128xbf16, #tpu.memory_space<vmem>>) offsets(%dma_start3A_51 : memref<125xi32, #tpu.memory_space<vmem>>) semaphore(%arg10 : memref<!tpu.dma_semaphore, #tpu.memory_space<semaphore_mem>>)
    %scan3A_55 = arith.constant 0 : i32
    %scan3A_56 = arith.constant 0 : i32
    %scan3A_57 = arith.constant 20 : i32
    %scan3A_58 = arith.addi %scan3A_56, %scan3A_57 : i32
    %scan3A_59 = arith.constant 1 : i32
    %scan3A_60 = scf.for %scan3A_114 = %scan3A_56 to %scan3A_58 step %scan3A_59 iter_args(%scan3A_115 = %scan3A_55) -> (i32)  : i32 {
      %mul3A_116 = arith.constant 2 : i32
      %mul3A_117 = arith.muli %scan3A_114, %mul3A_116 : i32
      %add3A_118 = arith.constant 0 : i32
      %add3A_119 = arith.addi %mul3A_117, %add3A_118 : i32
      %mul3A_120 = arith.constant 2 : i32
      %mul3A_121 = arith.muli %add3A_119, %mul3A_120 : i32
      %add3A_122 = arith.constant 0 : i32
      %add3A_123 = arith.addi %mul3A_121, %add3A_122 : i32
      %dma_wait3A_124 = arith.constant 0 : i32
      %dma_wait3A_125 = arith.constant 0 : i32
      %dma_wait3A_126 = arith.constant 0 : i32
      %dma_wait3A_127 = tpu.memref_slice %arg8[%dma_wait3A_124, %dma_wait3A_125, %dma_wait3A_126] : memref<4x125x128xbf16, #tpu.memory_space<vmem>> -> memref<1x125x128xbf16, #tpu.memory_space<vmem>>
      %dma_wait3A_128 = tpu.memref_squeeze %dma_wait3A_127 : memref<1x125x128xbf16, #tpu.memory_space<vmem>> -> memref<125x128xbf16, #tpu.memory_space<vmem>>
      %dma_wait3A_129 = arith.constant 0 : i32
      %dma_wait3A_130 = tpu.memref_slice %arg5[%add3A_123, %dma_wait3A_129] : memref<80x125xi32, #tpu.memory_space<vmem>> -> memref<1x125xi32, #tpu.memory_space<vmem>>
      %dma_wait3A_131 = tpu.memref_squeeze %dma_wait3A_130 : memref<1x125xi32, #tpu.memory_space<vmem>> -> memref<125xi32, #tpu.memory_space<vmem>>
      %dma_wait3A_132 = arith.constant 0 : i32
      %dma_wait3A_133 = arith.constant 0 : i32
      %dma_wait3A_134 = tpu.memref_slice %arg2[%dma_wait3A_132, %dma_wait3A_133] : memref<10000x128xbf16, #tpu.memory_space<hbm>> -> memref<10000x128xbf16, #tpu.memory_space<hbm>>
      tpu.wait_indirect_dma semaphore(%arg10 : memref<!tpu.dma_semaphore, #tpu.memory_space<semaphore_mem>>) src(%dma_wait3A_134 : memref<10000x128xbf16, #tpu.memory_space<hbm>>) dst(%dma_wait3A_128 : memref<125x128xbf16, #tpu.memory_space<vmem>>)
      %mul3A_135 = arith.constant 2 : i32
      %mul3A_136 = arith.muli %add3A_119, %mul3A_135 : i32
      %add3A_137 = arith.constant 1 : i32
      %add3A_138 = arith.addi %mul3A_136, %add3A_137 : i32
      %dma_wait3A_139 = arith.constant 1 : i32
      %dma_wait3A_140 = arith.constant 0 : i32
      %dma_wait3A_141 = arith.constant 0 : i32
      %dma_wait3A_142 = tpu.memref_slice %arg8[%dma_wait3A_139, %dma_wait3A_140, %dma_wait3A_141] : memref<4x125x128xbf16, #tpu.memory_space<vmem>> -> memref<1x125x128xbf16, #tpu.memory_space<vmem>>
      %dma_wait3A_143 = tpu.memref_squeeze %dma_wait3A_142 : memref<1x125x128xbf16, #tpu.memory_space<vmem>> -> memref<125x128xbf16, #tpu.memory_space<vmem>>
      %dma_wait3A_144 = arith.constant 0 : i32
      %dma_wait3A_145 = tpu.memref_slice %arg5[%add3A_138, %dma_wait3A_144] : memref<80x125xi32, #tpu.memory_space<vmem>> -> memref<1x125xi32, #tpu.memory_space<vmem>>
      %dma_wait3A_146 = tpu.memref_squeeze %dma_wait3A_145 : memref<1x125xi32, #tpu.memory_space<vmem>> -> memref<125xi32, #tpu.memory_space<vmem>>
      %dma_wait3A_147 = arith.constant 0 : i32
      %dma_wait3A_148 = arith.constant 0 : i32
      %dma_wait3A_149 = tpu.memref_slice %arg2[%dma_wait3A_147, %dma_wait3A_148] : memref<10000x128xbf16, #tpu.memory_space<hbm>> -> memref<10000x128xbf16, #tpu.memory_space<hbm>>
      tpu.wait_indirect_dma semaphore(%arg10 : memref<!tpu.dma_semaphore, #tpu.memory_space<semaphore_mem>>) src(%dma_wait3A_149 : memref<10000x128xbf16, #tpu.memory_space<hbm>>) dst(%dma_wait3A_143 : memref<125x128xbf16, #tpu.memory_space<vmem>>)
      %add3A_150 = arith.constant 1 : i32
      %add3A_151 = arith.addi %add3A_119, %add3A_150 : i32
      %lt3A = arith.constant 40 : i32
      %lt3A_152 = arith.cmpi slt, %add3A_151, %lt3A : i32
      %convert_element_type3A = arith.extui %lt3A_152 : i1 to i32
      %cond3A = arith.constant 0 : i32
      %cond3A_153 = arith.cmpi ne, %convert_element_type3A, %cond3A : i32
      scf.if %cond3A_153 {
        %ge3A = arith.constant 1 : i32
        %ge3A_256 = arith.cmpi sge, %add3A_119, %ge3A : i32
        %convert_element_type3A_257 = arith.extui %ge3A_256 : i1 to i32
        %cond3A_258 = arith.constant 0 : i32
        %cond3A_259 = arith.cmpi ne, %convert_element_type3A_257, %cond3A_258 : i32
        scf.if %cond3A_259 {
          %sub3A = arith.constant 1 : i32
          %sub3A_292 = arith.subi %add3A_119, %sub3A : i32
          %mul3A_293 = arith.constant 2 : i32
          %mul3A_294 = arith.muli %sub3A_292, %mul3A_293 : i32
          %add3A_295 = arith.constant 0 : i32
          %add3A_296 = arith.addi %mul3A_294, %add3A_295 : i32
          %dma_wait3A_297 = arith.constant 2 : i32
          %dma_wait3A_298 = arith.constant 0 : i32
          %dma_wait3A_299 = arith.constant 0 : i32
          %dma_wait3A_300 = tpu.memref_slice %arg8[%dma_wait3A_297, %dma_wait3A_298, %dma_wait3A_299] : memref<4x125x128xbf16, #tpu.memory_space<vmem>> -> memref<1x125x128xbf16, #tpu.memory_space<vmem>>
          %dma_wait3A_301 = tpu.memref_squeeze %dma_wait3A_300 : memref<1x125x128xbf16, #tpu.memory_space<vmem>> -> memref<125x128xbf16, #tpu.memory_space<vmem>>
          %dma_wait3A_302 = arith.constant 0 : i32
          %dma_wait3A_303 = tpu.memref_slice %arg6[%add3A_296, %dma_wait3A_302] : memref<80x125xi32, #tpu.memory_space<vmem>> -> memref<1x125xi32, #tpu.memory_space<vmem>>
          %dma_wait3A_304 = tpu.memref_squeeze %dma_wait3A_303 : memref<1x125xi32, #tpu.memory_space<vmem>> -> memref<125xi32, #tpu.memory_space<vmem>>
          %dma_wait3A_305 = arith.constant 0 : i32
          %dma_wait3A_306 = arith.constant 0 : i32
          %dma_wait3A_307 = tpu.memref_slice %arg9[%dma_wait3A_305, %dma_wait3A_306] : memref<10120x128xbf16, #tpu.memory_space<vmem_shared>> -> memref<10120x128xbf16, #tpu.memory_space<vmem_shared>>
          tpu.wait_indirect_dma semaphore(%arg11 : memref<!tpu.dma_semaphore, #tpu.memory_space<semaphore_mem>>) src(%dma_wait3A_301 : memref<125x128xbf16, #tpu.memory_space<vmem>>) dst(%dma_wait3A_307 : memref<10120x128xbf16, #tpu.memory_space<vmem_shared>>)
          %mul3A_308 = arith.constant 2 : i32
          %mul3A_309 = arith.muli %sub3A_292, %mul3A_308 : i32
          %add3A_310 = arith.constant 1 : i32
          %add3A_311 = arith.addi %mul3A_309, %add3A_310 : i32
          %dma_wait3A_312 = arith.constant 3 : i32
          %dma_wait3A_313 = arith.constant 0 : i32
          %dma_wait3A_314 = arith.constant 0 : i32
          %dma_wait3A_315 = tpu.memref_slice %arg8[%dma_wait3A_312, %dma_wait3A_313, %dma_wait3A_314] : memref<4x125x128xbf16, #tpu.memory_space<vmem>> -> memref<1x125x128xbf16, #tpu.memory_space<vmem>>
          %dma_wait3A_316 = tpu.memref_squeeze %dma_wait3A_315 : memref<1x125x128xbf16, #tpu.memory_space<vmem>> -> memref<125x128xbf16, #tpu.memory_space<vmem>>
          %dma_wait3A_317 = arith.constant 0 : i32
          %dma_wait3A_318 = tpu.memref_slice %arg6[%add3A_311, %dma_wait3A_317] : memref<80x125xi32, #tpu.memory_space<vmem>> -> memref<1x125xi32, #tpu.memory_space<vmem>>
          %dma_wait3A_319 = tpu.memref_squeeze %dma_wait3A_318 : memref<1x125xi32, #tpu.memory_space<vmem>> -> memref<125xi32, #tpu.memory_space<vmem>>
          %dma_wait3A_320 = arith.constant 0 : i32
          %dma_wait3A_321 = arith.constant 0 : i32
          %dma_wait3A_322 = tpu.memref_slice %arg9[%dma_wait3A_320, %dma_wait3A_321] : memref<10120x128xbf16, #tpu.memory_space<vmem_shared>> -> memref<10120x128xbf16, #tpu.memory_space<vmem_shared>>
          tpu.wait_indirect_dma semaphore(%arg11 : memref<!tpu.dma_semaphore, #tpu.memory_space<semaphore_mem>>) src(%dma_wait3A_316 : memref<125x128xbf16, #tpu.memory_space<vmem>>) dst(%dma_wait3A_322 : memref<10120x128xbf16, #tpu.memory_space<vmem_shared>>)
        } else {
        }
        %add3A_260 = arith.constant 1 : i32
        %add3A_261 = arith.addi %add3A_119, %add3A_260 : i32
        %mul3A_262 = arith.constant 2 : i32
        %mul3A_263 = arith.muli %add3A_261, %mul3A_262 : i32
        %add3A_264 = arith.constant 0 : i32
        %add3A_265 = arith.addi %mul3A_263, %add3A_264 : i32
        %dma_start3A_266 = arith.constant 2 : i32
        %dma_start3A_267 = arith.constant 0 : i32
        %dma_start3A_268 = arith.constant 0 : i32
        %dma_start3A_269 = tpu.memref_slice %arg8[%dma_start3A_266, %dma_start3A_267, %dma_start3A_268] : memref<4x125x128xbf16, #tpu.memory_space<vmem>> -> memref<1x125x128xbf16, #tpu.memory_space<vmem>>
        %dma_start3A_270 = tpu.memref_squeeze %dma_start3A_269 : memref<1x125x128xbf16, #tpu.memory_space<vmem>> -> memref<125x128xbf16, #tpu.memory_space<vmem>>
        %dma_start3A_271 = arith.constant 0 : i32
        %dma_start3A_272 = tpu.memref_slice %arg5[%add3A_265, %dma_start3A_271] : memref<80x125xi32, #tpu.memory_space<vmem>> -> memref<1x125xi32, #tpu.memory_space<vmem>>
        %dma_start3A_273 = tpu.memref_squeeze %dma_start3A_272 : memref<1x125xi32, #tpu.memory_space<vmem>> -> memref<125xi32, #tpu.memory_space<vmem>>
        %dma_start3A_274 = arith.constant 0 : i32
        %dma_start3A_275 = arith.constant 0 : i32
        %dma_start3A_276 = tpu.memref_slice %arg2[%dma_start3A_274, %dma_start3A_275] : memref<10000x128xbf16, #tpu.memory_space<hbm>> -> memref<10000x128xbf16, #tpu.memory_space<hbm>>
        tpu.enqueue_indirect_dma source(%dma_start3A_276 : memref<10000x128xbf16, #tpu.memory_space<hbm>>) target(%dma_start3A_270 : memref<125x128xbf16, #tpu.memory_space<vmem>>) offsets(%dma_start3A_273 : memref<125xi32, #tpu.memory_space<vmem>>) semaphore(%arg10 : memref<!tpu.dma_semaphore, #tpu.memory_space<semaphore_mem>>)
        %mul3A_277 = arith.constant 2 : i32
        %mul3A_278 = arith.muli %add3A_261, %mul3A_277 : i32
        %add3A_279 = arith.constant 1 : i32
        %add3A_280 = arith.addi %mul3A_278, %add3A_279 : i32
        %dma_start3A_281 = arith.constant 3 : i32
        %dma_start3A_282 = arith.constant 0 : i32
        %dma_start3A_283 = arith.constant 0 : i32
        %dma_start3A_284 = tpu.memref_slice %arg8[%dma_start3A_281, %dma_start3A_282, %dma_start3A_283] : memref<4x125x128xbf16, #tpu.memory_space<vmem>> -> memref<1x125x128xbf16, #tpu.memory_space<vmem>>
        %dma_start3A_285 = tpu.memref_squeeze %dma_start3A_284 : memref<1x125x128xbf16, #tpu.memory_space<vmem>> -> memref<125x128xbf16, #tpu.memory_space<vmem>>
        %dma_start3A_286 = arith.constant 0 : i32
        %dma_start3A_287 = tpu.memref_slice %arg5[%add3A_280, %dma_start3A_286] : memref<80x125xi32, #tpu.memory_space<vmem>> -> memref<1x125xi32, #tpu.memory_space<vmem>>
        %dma_start3A_288 = tpu.memref_squeeze %dma_start3A_287 : memref<1x125xi32, #tpu.memory_space<vmem>> -> memref<125xi32, #tpu.memory_space<vmem>>
        %dma_start3A_289 = arith.constant 0 : i32
        %dma_start3A_290 = arith.constant 0 : i32
        %dma_start3A_291 = tpu.memref_slice %arg2[%dma_start3A_289, %dma_start3A_290] : memref<10000x128xbf16, #tpu.memory_space<hbm>> -> memref<10000x128xbf16, #tpu.memory_space<hbm>>
        tpu.enqueue_indirect_dma source(%dma_start3A_291 : memref<10000x128xbf16, #tpu.memory_space<hbm>>) target(%dma_start3A_285 : memref<125x128xbf16, #tpu.memory_space<vmem>>) offsets(%dma_start3A_288 : memref<125xi32, #tpu.memory_space<vmem>>) semaphore(%arg10 : memref<!tpu.dma_semaphore, #tpu.memory_space<semaphore_mem>>)
      } else {
      }
      %mul3A_154 = arith.constant 2 : i32
      %mul3A_155 = arith.muli %add3A_119, %mul3A_154 : i32
      %add3A_156 = arith.constant 0 : i32
      %add3A_157 = arith.addi %mul3A_155, %add3A_156 : i32
      %dma_start3A_158 = arith.constant 0 : i32
      %dma_start3A_159 = arith.constant 0 : i32
      %dma_start3A_160 = arith.constant 0 : i32
      %dma_start3A_161 = tpu.memref_slice %arg8[%dma_start3A_158, %dma_start3A_159, %dma_start3A_160] : memref<4x125x128xbf16, #tpu.memory_space<vmem>> -> memref<1x125x128xbf16, #tpu.memory_space<vmem>>
      %dma_start3A_162 = tpu.memref_squeeze %dma_start3A_161 : memref<1x125x128xbf16, #tpu.memory_space<vmem>> -> memref<125x128xbf16, #tpu.memory_space<vmem>>
      %dma_start3A_163 = arith.constant 0 : i32
      %dma_start3A_164 = tpu.memref_slice %arg6[%add3A_157, %dma_start3A_163] : memref<80x125xi32, #tpu.memory_space<vmem>> -> memref<1x125xi32, #tpu.memory_space<vmem>>
      %dma_start3A_165 = tpu.memref_squeeze %dma_start3A_164 : memref<1x125xi32, #tpu.memory_space<vmem>> -> memref<125xi32, #tpu.memory_space<vmem>>
      %dma_start3A_166 = arith.constant 0 : i32
      %dma_start3A_167 = arith.constant 0 : i32
      %dma_start3A_168 = tpu.memref_slice %arg9[%dma_start3A_166, %dma_start3A_167] : memref<10120x128xbf16, #tpu.memory_space<vmem_shared>> -> memref<10120x128xbf16, #tpu.memory_space<vmem_shared>>
      tpu.enqueue_indirect_dma source(%dma_start3A_162 : memref<125x128xbf16, #tpu.memory_space<vmem>>) target(%dma_start3A_168 : memref<10120x128xbf16, #tpu.memory_space<vmem_shared>>) offsets(%dma_start3A_165 : memref<125xi32, #tpu.memory_space<vmem>>) semaphore(%arg11 : memref<!tpu.dma_semaphore, #tpu.memory_space<semaphore_mem>>) {add = true}
      %mul3A_169 = arith.constant 2 : i32
      %mul3A_170 = arith.muli %add3A_119, %mul3A_169 : i32
      %add3A_171 = arith.constant 1 : i32
      %add3A_172 = arith.addi %mul3A_170, %add3A_171 : i32
      %dma_start3A_173 = arith.constant 1 : i32
      %dma_start3A_174 = arith.constant 0 : i32
      %dma_start3A_175 = arith.constant 0 : i32
      %dma_start3A_176 = tpu.memref_slice %arg8[%dma_start3A_173, %dma_start3A_174, %dma_start3A_175] : memref<4x125x128xbf16, #tpu.memory_space<vmem>> -> memref<1x125x128xbf16, #tpu.memory_space<vmem>>
      %dma_start3A_177 = tpu.memref_squeeze %dma_start3A_176 : memref<1x125x128xbf16, #tpu.memory_space<vmem>> -> memref<125x128xbf16, #tpu.memory_space<vmem>>
      %dma_start3A_178 = arith.constant 0 : i32
      %dma_start3A_179 = tpu.memref_slice %arg6[%add3A_172, %dma_start3A_178] : memref<80x125xi32, #tpu.memory_space<vmem>> -> memref<1x125xi32, #tpu.memory_space<vmem>>
      %dma_start3A_180 = tpu.memref_squeeze %dma_start3A_179 : memref<1x125xi32, #tpu.memory_space<vmem>> -> memref<125xi32, #tpu.memory_space<vmem>>
      %dma_start3A_181 = arith.constant 0 : i32
      %dma_start3A_182 = arith.constant 0 : i32
      %dma_start3A_183 = tpu.memref_slice %arg9[%dma_start3A_181, %dma_start3A_182] : memref<10120x128xbf16, #tpu.memory_space<vmem_shared>> -> memref<10120x128xbf16, #tpu.memory_space<vmem_shared>>
      tpu.enqueue_indirect_dma source(%dma_start3A_177 : memref<125x128xbf16, #tpu.memory_space<vmem>>) target(%dma_start3A_183 : memref<10120x128xbf16, #tpu.memory_space<vmem_shared>>) offsets(%dma_start3A_180 : memref<125xi32, #tpu.memory_space<vmem>>) semaphore(%arg11 : memref<!tpu.dma_semaphore, #tpu.memory_space<semaphore_mem>>) {add = true}
      %mul3A_184 = arith.constant 2 : i32
      %mul3A_185 = arith.muli %scan3A_114, %mul3A_184 : i32
      %add3A_186 = arith.constant 1 : i32
      %add3A_187 = arith.addi %mul3A_185, %add3A_186 : i32
      %mul3A_188 = arith.constant 2 : i32
      %mul3A_189 = arith.muli %add3A_187, %mul3A_188 : i32
      %add3A_190 = arith.constant 0 : i32
      %add3A_191 = arith.addi %mul3A_189, %add3A_190 : i32
      %dma_wait3A_192 = arith.constant 2 : i32
      %dma_wait3A_193 = arith.constant 0 : i32
      %dma_wait3A_194 = arith.constant 0 : i32
      %dma_wait3A_195 = tpu.memref_slice %arg8[%dma_wait3A_192, %dma_wait3A_193, %dma_wait3A_194] : memref<4x125x128xbf16, #tpu.memory_space<vmem>> -> memref<1x125x128xbf16, #tpu.memory_space<vmem>>
      %dma_wait3A_196 = tpu.memref_squeeze %dma_wait3A_195 : memref<1x125x128xbf16, #tpu.memory_space<vmem>> -> memref<125x128xbf16, #tpu.memory_space<vmem>>
      %dma_wait3A_197 = arith.constant 0 : i32
      %dma_wait3A_198 = tpu.memref_slice %arg5[%add3A_191, %dma_wait3A_197] : memref<80x125xi32, #tpu.memory_space<vmem>> -> memref<1x125xi32, #tpu.memory_space<vmem>>
      %dma_wait3A_199 = tpu.memref_squeeze %dma_wait3A_198 : memref<1x125xi32, #tpu.memory_space<vmem>> -> memref<125xi32, #tpu.memory_space<vmem>>
      %dma_wait3A_200 = arith.constant 0 : i32
      %dma_wait3A_201 = arith.constant 0 : i32
      %dma_wait3A_202 = tpu.memref_slice %arg2[%dma_wait3A_200, %dma_wait3A_201] : memref<10000x128xbf16, #tpu.memory_space<hbm>> -> memref<10000x128xbf16, #tpu.memory_space<hbm>>
      tpu.wait_indirect_dma semaphore(%arg10 : memref<!tpu.dma_semaphore, #tpu.memory_space<semaphore_mem>>) src(%dma_wait3A_202 : memref<10000x128xbf16, #tpu.memory_space<hbm>>) dst(%dma_wait3A_196 : memref<125x128xbf16, #tpu.memory_space<vmem>>)
      %mul3A_203 = arith.constant 2 : i32
      %mul3A_204 = arith.muli %add3A_187, %mul3A_203 : i32
      %add3A_205 = arith.constant 1 : i32
      %add3A_206 = arith.addi %mul3A_204, %add3A_205 : i32
      %dma_wait3A_207 = arith.constant 3 : i32
      %dma_wait3A_208 = arith.constant 0 : i32
      %dma_wait3A_209 = arith.constant 0 : i32
      %dma_wait3A_210 = tpu.memref_slice %arg8[%dma_wait3A_207, %dma_wait3A_208, %dma_wait3A_209] : memref<4x125x128xbf16, #tpu.memory_space<vmem>> -> memref<1x125x128xbf16, #tpu.memory_space<vmem>>
      %dma_wait3A_211 = tpu.memref_squeeze %dma_wait3A_210 : memref<1x125x128xbf16, #tpu.memory_space<vmem>> -> memref<125x128xbf16, #tpu.memory_space<vmem>>
      %dma_wait3A_212 = arith.constant 0 : i32
      %dma_wait3A_213 = tpu.memref_slice %arg5[%add3A_206, %dma_wait3A_212] : memref<80x125xi32, #tpu.memory_space<vmem>> -> memref<1x125xi32, #tpu.memory_space<vmem>>
      %dma_wait3A_214 = tpu.memref_squeeze %dma_wait3A_213 : memref<1x125xi32, #tpu.memory_space<vmem>> -> memref<125xi32, #tpu.memory_space<vmem>>
      %dma_wait3A_215 = arith.constant 0 : i32
      %dma_wait3A_216 = arith.constant 0 : i32
      %dma_wait3A_217 = tpu.memref_slice %arg2[%dma_wait3A_215, %dma_wait3A_216] : memref<10000x128xbf16, #tpu.memory_space<hbm>> -> memref<10000x128xbf16, #tpu.memory_space<hbm>>
      tpu.wait_indirect_dma semaphore(%arg10 : memref<!tpu.dma_semaphore, #tpu.memory_space<semaphore_mem>>) src(%dma_wait3A_217 : memref<10000x128xbf16, #tpu.memory_space<hbm>>) dst(%dma_wait3A_211 : memref<125x128xbf16, #tpu.memory_space<vmem>>)
      %add3A_218 = arith.constant 1 : i32
      %add3A_219 = arith.addi %add3A_187, %add3A_218 : i32
      %lt3A_220 = arith.constant 40 : i32
      %lt3A_221 = arith.cmpi slt, %add3A_219, %lt3A_220 : i32
      %convert_element_type3A_222 = arith.extui %lt3A_221 : i1 to i32
      %cond3A_223 = arith.constant 0 : i32
      %cond3A_224 = arith.cmpi ne, %convert_element_type3A_222, %cond3A_223 : i32
      scf.if %cond3A_224 {
        %ge3A = arith.constant 1 : i32
        %ge3A_256 = arith.cmpi sge, %add3A_187, %ge3A : i32
        %convert_element_type3A_257 = arith.extui %ge3A_256 : i1 to i32
        %cond3A_258 = arith.constant 0 : i32
        %cond3A_259 = arith.cmpi ne, %convert_element_type3A_257, %cond3A_258 : i32
        scf.if %cond3A_259 {
          %sub3A = arith.constant 1 : i32
          %sub3A_292 = arith.subi %add3A_187, %sub3A : i32
          %mul3A_293 = arith.constant 2 : i32
          %mul3A_294 = arith.muli %sub3A_292, %mul3A_293 : i32
          %add3A_295 = arith.constant 0 : i32
          %add3A_296 = arith.addi %mul3A_294, %add3A_295 : i32
          %dma_wait3A_297 = arith.constant 0 : i32
          %dma_wait3A_298 = arith.constant 0 : i32
          %dma_wait3A_299 = arith.constant 0 : i32
          %dma_wait3A_300 = tpu.memref_slice %arg8[%dma_wait3A_297, %dma_wait3A_298, %dma_wait3A_299] : memref<4x125x128xbf16, #tpu.memory_space<vmem>> -> memref<1x125x128xbf16, #tpu.memory_space<vmem>>
          %dma_wait3A_301 = tpu.memref_squeeze %dma_wait3A_300 : memref<1x125x128xbf16, #tpu.memory_space<vmem>> -> memref<125x128xbf16, #tpu.memory_space<vmem>>
          %dma_wait3A_302 = arith.constant 0 : i32
          %dma_wait3A_303 = tpu.memref_slice %arg6[%add3A_296, %dma_wait3A_302] : memref<80x125xi32, #tpu.memory_space<vmem>> -> memref<1x125xi32, #tpu.memory_space<vmem>>
          %dma_wait3A_304 = tpu.memref_squeeze %dma_wait3A_303 : memref<1x125xi32, #tpu.memory_space<vmem>> -> memref<125xi32, #tpu.memory_space<vmem>>
          %dma_wait3A_305 = arith.constant 0 : i32
          %dma_wait3A_306 = arith.constant 0 : i32
          %dma_wait3A_307 = tpu.memref_slice %arg9[%dma_wait3A_305, %dma_wait3A_306] : memref<10120x128xbf16, #tpu.memory_space<vmem_shared>> -> memref<10120x128xbf16, #tpu.memory_space<vmem_shared>>
          tpu.wait_indirect_dma semaphore(%arg11 : memref<!tpu.dma_semaphore, #tpu.memory_space<semaphore_mem>>) src(%dma_wait3A_301 : memref<125x128xbf16, #tpu.memory_space<vmem>>) dst(%dma_wait3A_307 : memref<10120x128xbf16, #tpu.memory_space<vmem_shared>>)
          %mul3A_308 = arith.constant 2 : i32
          %mul3A_309 = arith.muli %sub3A_292, %mul3A_308 : i32
          %add3A_310 = arith.constant 1 : i32
          %add3A_311 = arith.addi %mul3A_309, %add3A_310 : i32
          %dma_wait3A_312 = arith.constant 1 : i32
          %dma_wait3A_313 = arith.constant 0 : i32
          %dma_wait3A_314 = arith.constant 0 : i32
          %dma_wait3A_315 = tpu.memref_slice %arg8[%dma_wait3A_312, %dma_wait3A_313, %dma_wait3A_314] : memref<4x125x128xbf16, #tpu.memory_space<vmem>> -> memref<1x125x128xbf16, #tpu.memory_space<vmem>>
          %dma_wait3A_316 = tpu.memref_squeeze %dma_wait3A_315 : memref<1x125x128xbf16, #tpu.memory_space<vmem>> -> memref<125x128xbf16, #tpu.memory_space<vmem>>
          %dma_wait3A_317 = arith.constant 0 : i32
          %dma_wait3A_318 = tpu.memref_slice %arg6[%add3A_311, %dma_wait3A_317] : memref<80x125xi32, #tpu.memory_space<vmem>> -> memref<1x125xi32, #tpu.memory_space<vmem>>
          %dma_wait3A_319 = tpu.memref_squeeze %dma_wait3A_318 : memref<1x125xi32, #tpu.memory_space<vmem>> -> memref<125xi32, #tpu.memory_space<vmem>>
          %dma_wait3A_320 = arith.constant 0 : i32
          %dma_wait3A_321 = arith.constant 0 : i32
          %dma_wait3A_322 = tpu.memref_slice %arg9[%dma_wait3A_320, %dma_wait3A_321] : memref<10120x128xbf16, #tpu.memory_space<vmem_shared>> -> memref<10120x128xbf16, #tpu.memory_space<vmem_shared>>
          tpu.wait_indirect_dma semaphore(%arg11 : memref<!tpu.dma_semaphore, #tpu.memory_space<semaphore_mem>>) src(%dma_wait3A_316 : memref<125x128xbf16, #tpu.memory_space<vmem>>) dst(%dma_wait3A_322 : memref<10120x128xbf16, #tpu.memory_space<vmem_shared>>)
        } else {
        }
        %add3A_260 = arith.constant 1 : i32
        %add3A_261 = arith.addi %add3A_187, %add3A_260 : i32
        %mul3A_262 = arith.constant 2 : i32
        %mul3A_263 = arith.muli %add3A_261, %mul3A_262 : i32
        %add3A_264 = arith.constant 0 : i32
        %add3A_265 = arith.addi %mul3A_263, %add3A_264 : i32
        %dma_start3A_266 = arith.constant 0 : i32
        %dma_start3A_267 = arith.constant 0 : i32
        %dma_start3A_268 = arith.constant 0 : i32
        %dma_start3A_269 = tpu.memref_slice %arg8[%dma_start3A_266, %dma_start3A_267, %dma_start3A_268] : memref<4x125x128xbf16, #tpu.memory_space<vmem>> -> memref<1x125x128xbf16, #tpu.memory_space<vmem>>
        %dma_start3A_270 = tpu.memref_squeeze %dma_start3A_269 : memref<1x125x128xbf16, #tpu.memory_space<vmem>> -> memref<125x128xbf16, #tpu.memory_space<vmem>>
        %dma_start3A_271 = arith.constant 0 : i32
        %dma_start3A_272 = tpu.memref_slice %arg5[%add3A_265, %dma_start3A_271] : memref<80x125xi32, #tpu.memory_space<vmem>> -> memref<1x125xi32, #tpu.memory_space<vmem>>
        %dma_start3A_273 = tpu.memref_squeeze %dma_start3A_272 : memref<1x125xi32, #tpu.memory_space<vmem>> -> memref<125xi32, #tpu.memory_space<vmem>>
        %dma_start3A_274 = arith.constant 0 : i32
        %dma_start3A_275 = arith.constant 0 : i32
        %dma_start3A_276 = tpu.memref_slice %arg2[%dma_start3A_274, %dma_start3A_275] : memref<10000x128xbf16, #tpu.memory_space<hbm>> -> memref<10000x128xbf16, #tpu.memory_space<hbm>>
        tpu.enqueue_indirect_dma source(%dma_start3A_276 : memref<10000x128xbf16, #tpu.memory_space<hbm>>) target(%dma_start3A_270 : memref<125x128xbf16, #tpu.memory_space<vmem>>) offsets(%dma_start3A_273 : memref<125xi32, #tpu.memory_space<vmem>>) semaphore(%arg10 : memref<!tpu.dma_semaphore, #tpu.memory_space<semaphore_mem>>)
        %mul3A_277 = arith.constant 2 : i32
        %mul3A_278 = arith.muli %add3A_261, %mul3A_277 : i32
        %add3A_279 = arith.constant 1 : i32
        %add3A_280 = arith.addi %mul3A_278, %add3A_279 : i32
        %dma_start3A_281 = arith.constant 1 : i32
        %dma_start3A_282 = arith.constant 0 : i32
        %dma_start3A_283 = arith.constant 0 : i32
        %dma_start3A_284 = tpu.memref_slice %arg8[%dma_start3A_281, %dma_start3A_282, %dma_start3A_283] : memref<4x125x128xbf16, #tpu.memory_space<vmem>> -> memref<1x125x128xbf16, #tpu.memory_space<vmem>>
        %dma_start3A_285 = tpu.memref_squeeze %dma_start3A_284 : memref<1x125x128xbf16, #tpu.memory_space<vmem>> -> memref<125x128xbf16, #tpu.memory_space<vmem>>
        %dma_start3A_286 = arith.constant 0 : i32
        %dma_start3A_287 = tpu.memref_slice %arg5[%add3A_280, %dma_start3A_286] : memref<80x125xi32, #tpu.memory_space<vmem>> -> memref<1x125xi32, #tpu.memory_space<vmem>>
        %dma_start3A_288 = tpu.memref_squeeze %dma_start3A_287 : memref<1x125xi32, #tpu.memory_space<vmem>> -> memref<125xi32, #tpu.memory_space<vmem>>
        %dma_start3A_289 = arith.constant 0 : i32
        %dma_start3A_290 = arith.constant 0 : i32
        %dma_start3A_291 = tpu.memref_slice %arg2[%dma_start3A_289, %dma_start3A_290] : memref<10000x128xbf16, #tpu.memory_space<hbm>> -> memref<10000x128xbf16, #tpu.memory_space<hbm>>
        tpu.enqueue_indirect_dma source(%dma_start3A_291 : memref<10000x128xbf16, #tpu.memory_space<hbm>>) target(%dma_start3A_285 : memref<125x128xbf16, #tpu.memory_space<vmem>>) offsets(%dma_start3A_288 : memref<125xi32, #tpu.memory_space<vmem>>) semaphore(%arg10 : memref<!tpu.dma_semaphore, #tpu.memory_space<semaphore_mem>>)
      } else {
      }
      %mul3A_225 = arith.constant 2 : i32
      %mul3A_226 = arith.muli %add3A_187, %mul3A_225 : i32
      %add3A_227 = arith.constant 0 : i32
      %add3A_228 = arith.addi %mul3A_226, %add3A_227 : i32
      %dma_start3A_229 = arith.constant 2 : i32
      %dma_start3A_230 = arith.constant 0 : i32
      %dma_start3A_231 = arith.constant 0 : i32
      %dma_start3A_232 = tpu.memref_slice %arg8[%dma_start3A_229, %dma_start3A_230, %dma_start3A_231] : memref<4x125x128xbf16, #tpu.memory_space<vmem>> -> memref<1x125x128xbf16, #tpu.memory_space<vmem>>
      %dma_start3A_233 = tpu.memref_squeeze %dma_start3A_232 : memref<1x125x128xbf16, #tpu.memory_space<vmem>> -> memref<125x128xbf16, #tpu.memory_space<vmem>>
      %dma_start3A_234 = arith.constant 0 : i32
      %dma_start3A_235 = tpu.memref_slice %arg6[%add3A_228, %dma_start3A_234] : memref<80x125xi32, #tpu.memory_space<vmem>> -> memref<1x125xi32, #tpu.memory_space<vmem>>
      %dma_start3A_236 = tpu.memref_squeeze %dma_start3A_235 : memref<1x125xi32, #tpu.memory_space<vmem>> -> memref<125xi32, #tpu.memory_space<vmem>>
      %dma_start3A_237 = arith.constant 0 : i32
      %dma_start3A_238 = arith.constant 0 : i32
      %dma_start3A_239 = tpu.memref_slice %arg9[%dma_start3A_237, %dma_start3A_238] : memref<10120x128xbf16, #tpu.memory_space<vmem_shared>> -> memref<10120x128xbf16, #tpu.memory_space<vmem_shared>>
      tpu.enqueue_indirect_dma source(%dma_start3A_233 : memref<125x128xbf16, #tpu.memory_space<vmem>>) target(%dma_start3A_239 : memref<10120x128xbf16, #tpu.memory_space<vmem_shared>>) offsets(%dma_start3A_236 : memref<125xi32, #tpu.memory_space<vmem>>) semaphore(%arg11 : memref<!tpu.dma_semaphore, #tpu.memory_space<semaphore_mem>>) {add = true}
      %mul3A_240 = arith.constant 2 : i32
      %mul3A_241 = arith.muli %add3A_187, %mul3A_240 : i32
      %add3A_242 = arith.constant 1 : i32
      %add3A_243 = arith.addi %mul3A_241, %add3A_242 : i32
      %dma_start3A_244 = arith.constant 3 : i32
      %dma_start3A_245 = arith.constant 0 : i32
      %dma_start3A_246 = arith.constant 0 : i32
      %dma_start3A_247 = tpu.memref_slice %arg8[%dma_start3A_244, %dma_start3A_245, %dma_start3A_246] : memref<4x125x128xbf16, #tpu.memory_space<vmem>> -> memref<1x125x128xbf16, #tpu.memory_space<vmem>>
      %dma_start3A_248 = tpu.memref_squeeze %dma_start3A_247 : memref<1x125x128xbf16, #tpu.memory_space<vmem>> -> memref<125x128xbf16, #tpu.memory_space<vmem>>
      %dma_start3A_249 = arith.constant 0 : i32
      %dma_start3A_250 = tpu.memref_slice %arg6[%add3A_243, %dma_start3A_249] : memref<80x125xi32, #tpu.memory_space<vmem>> -> memref<1x125xi32, #tpu.memory_space<vmem>>
      %dma_start3A_251 = tpu.memref_squeeze %dma_start3A_250 : memref<1x125xi32, #tpu.memory_space<vmem>> -> memref<125xi32, #tpu.memory_space<vmem>>
      %dma_start3A_252 = arith.constant 0 : i32
      %dma_start3A_253 = arith.constant 0 : i32
      %dma_start3A_254 = tpu.memref_slice %arg9[%dma_start3A_252, %dma_start3A_253] : memref<10120x128xbf16, #tpu.memory_space<vmem_shared>> -> memref<10120x128xbf16, #tpu.memory_space<vmem_shared>>
      tpu.enqueue_indirect_dma source(%dma_start3A_248 : memref<125x128xbf16, #tpu.memory_space<vmem>>) target(%dma_start3A_254 : memref<10120x128xbf16, #tpu.memory_space<vmem_shared>>) offsets(%dma_start3A_251 : memref<125xi32, #tpu.memory_space<vmem>>) semaphore(%arg11 : memref<!tpu.dma_semaphore, #tpu.memory_space<semaphore_mem>>) {add = true}
      %scan3A_255 = arith.constant 0 : i32
      scf.yield %scan3A_255 : i32
    }
    %scan3A_61 = arith.constant 20 : i32
    %dma_wait3A = arith.constant 0 : i32
    %dma_wait3A_62 = arith.constant 76 : i32
    %dma_wait3A_63 = arith.constant 0 : i32
    %dma_wait3A_64 = arith.constant 0 : i32
    %dma_wait3A_65 = tpu.memref_slice %arg8[%dma_wait3A, %dma_wait3A_63, %dma_wait3A_64] : memref<4x125x128xbf16, #tpu.memory_space<vmem>> -> memref<1x125x128xbf16, #tpu.memory_space<vmem>>
    %dma_wait3A_66 = tpu.memref_squeeze %dma_wait3A_65 : memref<1x125x128xbf16, #tpu.memory_space<vmem>> -> memref<125x128xbf16, #tpu.memory_space<vmem>>
    %dma_wait3A_67 = arith.constant 0 : i32
    %dma_wait3A_68 = tpu.memref_slice %arg6[%dma_wait3A_62, %dma_wait3A_67] : memref<80x125xi32, #tpu.memory_space<vmem>> -> memref<1x125xi32, #tpu.memory_space<vmem>>
    %dma_wait3A_69 = tpu.memref_squeeze %dma_wait3A_68 : memref<1x125xi32, #tpu.memory_space<vmem>> -> memref<125xi32, #tpu.memory_space<vmem>>
    %dma_wait3A_70 = arith.constant 0 : i32
    %dma_wait3A_71 = arith.constant 0 : i32
    %dma_wait3A_72 = tpu.memref_slice %arg9[%dma_wait3A_70, %dma_wait3A_71] : memref<10120x128xbf16, #tpu.memory_space<vmem_shared>> -> memref<10120x128xbf16, #tpu.memory_space<vmem_shared>>
    tpu.wait_indirect_dma semaphore(%arg11 : memref<!tpu.dma_semaphore, #tpu.memory_space<semaphore_mem>>) src(%dma_wait3A_66 : memref<125x128xbf16, #tpu.memory_space<vmem>>) dst(%dma_wait3A_72 : memref<10120x128xbf16, #tpu.memory_space<vmem_shared>>)
    %dma_wait3A_73 = arith.constant 1 : i32
    %dma_wait3A_74 = arith.constant 77 : i32
    %dma_wait3A_75 = arith.constant 0 : i32
    %dma_wait3A_76 = arith.constant 0 : i32
    %dma_wait3A_77 = tpu.memref_slice %arg8[%dma_wait3A_73, %dma_wait3A_75, %dma_wait3A_76] : memref<4x125x128xbf16, #tpu.memory_space<vmem>> -> memref<1x125x128xbf16, #tpu.memory_space<vmem>>
    %dma_wait3A_78 = tpu.memref_squeeze %dma_wait3A_77 : memref<1x125x128xbf16, #tpu.memory_space<vmem>> -> memref<125x128xbf16, #tpu.memory_space<vmem>>
    %dma_wait3A_79 = arith.constant 0 : i32
    %dma_wait3A_80 = tpu.memref_slice %arg6[%dma_wait3A_74, %dma_wait3A_79] : memref<80x125xi32, #tpu.memory_space<vmem>> -> memref<1x125xi32, #tpu.memory_space<vmem>>
    %dma_wait3A_81 = tpu.memref_squeeze %dma_wait3A_80 : memref<1x125xi32, #tpu.memory_space<vmem>> -> memref<125xi32, #tpu.memory_space<vmem>>
    %dma_wait3A_82 = arith.constant 0 : i32
    %dma_wait3A_83 = arith.constant 0 : i32
    %dma_wait3A_84 = tpu.memref_slice %arg9[%dma_wait3A_82, %dma_wait3A_83] : memref<10120x128xbf16, #tpu.memory_space<vmem_shared>> -> memref<10120x128xbf16, #tpu.memory_space<vmem_shared>>
    tpu.wait_indirect_dma semaphore(%arg11 : memref<!tpu.dma_semaphore, #tpu.memory_space<semaphore_mem>>) src(%dma_wait3A_78 : memref<125x128xbf16, #tpu.memory_space<vmem>>) dst(%dma_wait3A_84 : memref<10120x128xbf16, #tpu.memory_space<vmem_shared>>)
    %dma_wait3A_85 = arith.constant 2 : i32
    %dma_wait3A_86 = arith.constant 78 : i32
    %dma_wait3A_87 = arith.constant 0 : i32
    %dma_wait3A_88 = arith.constant 0 : i32
    %dma_wait3A_89 = tpu.memref_slice %arg8[%dma_wait3A_85, %dma_wait3A_87, %dma_wait3A_88] : memref<4x125x128xbf16, #tpu.memory_space<vmem>> -> memref<1x125x128xbf16, #tpu.memory_space<vmem>>
    %dma_wait3A_90 = tpu.memref_squeeze %dma_wait3A_89 : memref<1x125x128xbf16, #tpu.memory_space<vmem>> -> memref<125x128xbf16, #tpu.memory_space<vmem>>
    %dma_wait3A_91 = arith.constant 0 : i32
    %dma_wait3A_92 = tpu.memref_slice %arg6[%dma_wait3A_86, %dma_wait3A_91] : memref<80x125xi32, #tpu.memory_space<vmem>> -> memref<1x125xi32, #tpu.memory_space<vmem>>
    %dma_wait3A_93 = tpu.memref_squeeze %dma_wait3A_92 : memref<1x125xi32, #tpu.memory_space<vmem>> -> memref<125xi32, #tpu.memory_space<vmem>>
    %dma_wait3A_94 = arith.constant 0 : i32
    %dma_wait3A_95 = arith.constant 0 : i32
    %dma_wait3A_96 = tpu.memref_slice %arg9[%dma_wait3A_94, %dma_wait3A_95] : memref<10120x128xbf16, #tpu.memory_space<vmem_shared>> -> memref<10120x128xbf16, #tpu.memory_space<vmem_shared>>
    tpu.wait_indirect_dma semaphore(%arg11 : memref<!tpu.dma_semaphore, #tpu.memory_space<semaphore_mem>>) src(%dma_wait3A_90 : memref<125x128xbf16, #tpu.memory_space<vmem>>) dst(%dma_wait3A_96 : memref<10120x128xbf16, #tpu.memory_space<vmem_shared>>)
    %dma_wait3A_97 = arith.constant 3 : i32
    %dma_wait3A_98 = arith.constant 79 : i32
    %dma_wait3A_99 = arith.constant 0 : i32
    %dma_wait3A_100 = arith.constant 0 : i32
    %dma_wait3A_101 = tpu.memref_slice %arg8[%dma_wait3A_97, %dma_wait3A_99, %dma_wait3A_100] : memref<4x125x128xbf16, #tpu.memory_space<vmem>> -> memref<1x125x128xbf16, #tpu.memory_space<vmem>>
    %dma_wait3A_102 = tpu.memref_squeeze %dma_wait3A_101 : memref<1x125x128xbf16, #tpu.memory_space<vmem>> -> memref<125x128xbf16, #tpu.memory_space<vmem>>
    %dma_wait3A_103 = arith.constant 0 : i32
    %dma_wait3A_104 = tpu.memref_slice %arg6[%dma_wait3A_98, %dma_wait3A_103] : memref<80x125xi32, #tpu.memory_space<vmem>> -> memref<1x125xi32, #tpu.memory_space<vmem>>
    %dma_wait3A_105 = tpu.memref_squeeze %dma_wait3A_104 : memref<1x125xi32, #tpu.memory_space<vmem>> -> memref<125xi32, #tpu.memory_space<vmem>>
    %dma_wait3A_106 = arith.constant 0 : i32
    %dma_wait3A_107 = arith.constant 0 : i32
    %dma_wait3A_108 = tpu.memref_slice %arg9[%dma_wait3A_106, %dma_wait3A_107] : memref<10120x128xbf16, #tpu.memory_space<vmem_shared>> -> memref<10120x128xbf16, #tpu.memory_space<vmem_shared>>
    tpu.wait_indirect_dma semaphore(%arg11 : memref<!tpu.dma_semaphore, #tpu.memory_space<semaphore_mem>>) src(%dma_wait3A_102 : memref<125x128xbf16, #tpu.memory_space<vmem>>) dst(%dma_wait3A_108 : memref<10120x128xbf16, #tpu.memory_space<vmem_shared>>)
    %barrier3A_109 = arith.constant 0 : index
    tpu.barrier barrier_id(%barrier3A_109)
    %mul3A_110 = arith.constant 632 : i32
    %mul3A_111 = arith.muli %arg1, %mul3A_110 : i32
    %mul3A_112 = arith.constant 632 : i32
    %mul3A_113 = arith.muli %arg1, %mul3A_112 : i32
    "tpu.region"() ({
      %run_scoped3A_114 = tpu.sem_alloc : memref<!tpu.dma_semaphore, #tpu.memory_space<semaphore_mem>>
      %dma_start3A_115 = arith.constant 0 : i32
      %dma_start3A_116 = tpu.memref_slice %arg4[%arg0, %mul3A_113, %dma_start3A_115] : memref<2x10112x128xbf16, #tpu.memory_space<hbm>> -> memref<1x632x128xbf16, #tpu.memory_space<hbm>>
      %dma_start3A_117 = tpu.memref_squeeze %dma_start3A_116 : memref<1x632x128xbf16, #tpu.memory_space<hbm>> -> memref<632x128xbf16, #tpu.memory_space<hbm>>
      %dma_start3A_118 = arith.constant 0 : i32
      %dma_start3A_119 = tpu.memref_slice %arg9[%mul3A_111, %dma_start3A_118] : memref<10120x128xbf16, #tpu.memory_space<vmem_shared>> -> memref<632x128xbf16, #tpu.memory_space<vmem_shared>>
      tpu.enqueue_dma source(%dma_start3A_119 : memref<632x128xbf16, #tpu.memory_space<vmem_shared>>) target(%dma_start3A_117 : memref<632x128xbf16, #tpu.memory_space<hbm>>) target_semaphore(%run_scoped3A_114 : memref<!tpu.dma_semaphore, #tpu.memory_space<semaphore_mem>>)
      %dma_wait3A_120 = arith.constant 0 : i32
      %dma_wait3A_121 = tpu.memref_slice %arg4[%arg0, %mul3A_113, %dma_wait3A_120] : memref<2x10112x128xbf16, #tpu.memory_space<hbm>> -> memref<1x632x128xbf16, #tpu.memory_space<hbm>>
      %dma_wait3A_122 = tpu.memref_squeeze %dma_wait3A_121 : memref<1x632x128xbf16, #tpu.memory_space<hbm>> -> memref<632x128xbf16, #tpu.memory_space<hbm>>
      %dma_wait3A_123 = arith.constant 0 : i32
      %dma_wait3A_124 = tpu.memref_slice %arg9[%mul3A_111, %dma_wait3A_123] : memref<10120x128xbf16, #tpu.memory_space<vmem_shared>> -> memref<632x128xbf16, #tpu.memory_space<vmem_shared>>
      tpu.wait_dma2 semaphore(%run_scoped3A_114 : memref<!tpu.dma_semaphore, #tpu.memory_space<semaphore_mem>>) src(%dma_wait3A_124 : memref<632x128xbf16, #tpu.memory_space<vmem_shared>>) dst(%dma_wait3A_122 : memref<632x128xbf16, #tpu.memory_space<hbm>>)
      tpu.yield
    }) : () -> ()
    return
  }
}

module attributes {stable_mosaic.version = 14 : i64} {
  func.func @_mm_kernel(%arg0: memref<10000x128xf32, #tpu.memory_space<vmem>>, %arg1: memref<10000x128xf32, #tpu.memory_space<vmem>>, %arg2: memref<128x128xf32, #tpu.memory_space<vmem>>, %arg3: memref<128xf32, #tpu.memory_space<vmem>>, %arg4: memref<128x128xf32, #tpu.memory_space<vmem>>, %arg5: memref<10000x128xbf16, #tpu.memory_space<vmem>>, %arg6: memref<10000x128xf32, #tpu.memory_space<vmem>>) attributes {dimension_semantics = [], scalar_prefetch = 0 : i64, scratch_operands = 0 : i64, tpu.core_type = #tpu.core_type<tc>} {
    %get3A = arith.constant 0 : index
    %get3A_0 = arith.constant 0 : index
    %get3A_1 = vector.load %arg0[%get3A, %get3A_0] : memref<10000x128xf32, #tpu.memory_space<vmem>>, vector<10000x128xf32>
    %get3A_2 = arith.constant 0 : index
    %get3A_3 = arith.constant 0 : index
    %get3A_4 = vector.load %arg2[%get3A_2, %get3A_3] : memref<128x128xf32, #tpu.memory_space<vmem>>, vector<128x128xf32>
    %dot_general3A = arith.constant dense<0.000000e+00> : vector<10000x128xf32>
    %dot_general3A_5 = tpu.matmul %get3A_1, %get3A_4, %dot_general3A {dimension_numbers = #tpu.dot_dimension_numbers<[1], [0], [0], [1], [0, 0, 1, 1], [], []>, transpose_lhs_hint = false} : vector<10000x128xf32>, vector<128x128xf32>, vector<10000x128xf32> -> vector<10000x128xf32>
    %get3A_6 = arith.constant 0 : index
    %get3A_7 = vector.load %arg3[%get3A_6] : memref<128xf32, #tpu.memory_space<vmem>>, vector<128xf32>
    %broadcast_in_dim3A = vector.shape_cast %get3A_7 : vector<128xf32> to vector<1x128xf32>
    %add3A = vector.broadcast %broadcast_in_dim3A : vector<1x128xf32> to vector<10000x128xf32>
    %add3A_8 = arith.addf %dot_general3A_5, %add3A : vector<10000x128xf32>
    %get3A_9 = arith.constant 0 : index
    %get3A_10 = arith.constant 0 : index
    %get3A_11 = vector.load %arg1[%get3A_9, %get3A_10] : memref<10000x128xf32, #tpu.memory_space<vmem>>, vector<10000x128xf32>
    %add3A_12 = arith.addf %add3A_8, %get3A_11 : vector<10000x128xf32>
    %convert_element_type3A = arith.truncf %add3A_12 : vector<10000x128xf32> to vector<10000x128xbf16>
    %swap3A = arith.constant 0 : index
    %swap3A_13 = arith.constant 0 : index
    %swap3A_14 = vector.load %arg5[%swap3A, %swap3A_13] : memref<10000x128xbf16, #tpu.memory_space<vmem>>, vector<10000x128xbf16>
    tpu.vector_store %arg5[%swap3A, %swap3A_13], %convert_element_type3A {strides = array<i32>} : memref<10000x128xbf16, #tpu.memory_space<vmem>>, vector<10000x128xbf16>,
    %get3A_15 = arith.constant 0 : index
    %get3A_16 = arith.constant 0 : index
    %get3A_17 = vector.load %arg4[%get3A_15, %get3A_16] : memref<128x128xf32, #tpu.memory_space<vmem>>, vector<128x128xf32>
    %dot_general3A_18 = arith.constant dense<0.000000e+00> : vector<10000x128xf32>
    %dot_general3A_19 = tpu.matmul %add3A_12, %get3A_17, %dot_general3A_18 {dimension_numbers = #tpu.dot_dimension_numbers<[1], [0], [0], [1], [0, 0, 1, 1], [], []>, transpose_lhs_hint = false} : vector<10000x128xf32>, vector<128x128xf32>, vector<10000x128xf32> -> vector<10000x128xf32>
    %swap3A_20 = arith.constant 0 : index
    %swap3A_21 = arith.constant 0 : index
    %swap3A_22 = vector.load %arg6[%swap3A_20, %swap3A_21] : memref<10000x128xf32, #tpu.memory_space<vmem>>, vector<10000x128xf32>
    tpu.vector_store %arg6[%swap3A_20, %swap3A_21], %dot_general3A_19 {strides = array<i32>} : memref<10000x128xf32, #tpu.memory_space<vmem>>, vector<10000x128xf32>,
    return
  }
}

module attributes {stable_mosaic.version = 14 : i64} {
  func.func @_scale_kernel(%arg0: memref<10000x128xf32, #tpu.memory_space<vmem>>, %arg1: memref<32x10112xf32, #tpu.memory_space<vmem>>, %arg2: memref<10000x128xbf16, #tpu.memory_space<vmem>>) attributes {dimension_semantics = [], scalar_prefetch = 0 : i64, scratch_operands = 0 : i64, tpu.core_type = #tpu.core_type<tc>} {
    %get3A = arith.constant 0 : index
    %get3A_0 = arith.constant 0 : index
    %get3A_1 = vector.load %arg1[%get3A, %get3A_0] : memref<32x10112xf32, #tpu.memory_space<vmem>>, vector<32x10000xf32>
    %reduce_sum3A = arith.constant dense<0.000000e+00> : vector<10000xf32>
    %reduce_sum3A_2 = vector.multi_reduction <add>, %get3A_1, %reduce_sum3A [0] : vector<32x10000xf32> to vector<10000xf32>
    %add3A = arith.constant 1.000000e+00 : f32
    %add3A_3 = vector.broadcast %add3A : f32 to vector<10000xf32>
    %add3A_4 = arith.addf %reduce_sum3A_2, %add3A_3 : vector<10000xf32>
    %rsqrt3A = math.rsqrt %add3A_4 : vector<10000xf32>
    %get3A_5 = arith.constant 0 : index
    %get3A_6 = arith.constant 0 : index
    %get3A_7 = vector.load %arg0[%get3A_5, %get3A_6] : memref<10000x128xf32, #tpu.memory_space<vmem>>, vector<10000x128xf32>
    %broadcast_in_dim3A = vector.shape_cast %rsqrt3A : vector<10000xf32> to vector<10000x1xf32>
    %mul3A = vector.broadcast %broadcast_in_dim3A : vector<10000x1xf32> to vector<10000x128xf32>
    %mul3A_8 = arith.mulf %get3A_7, %mul3A : vector<10000x128xf32>
    %convert_element_type3A = arith.truncf %mul3A_8 : vector<10000x128xf32> to vector<10000x128xbf16>
    %swap3A = arith.constant 0 : index
    %swap3A_9 = arith.constant 0 : index
    %swap3A_10 = vector.load %arg2[%swap3A, %swap3A_9] : memref<10000x128xbf16, #tpu.memory_space<vmem>>, vector<10000x128xbf16>
    tpu.vector_store %arg2[%swap3A, %swap3A_9], %convert_element_type3A {strides = array<i32>} : memref<10000x128xbf16, #tpu.memory_space<vmem>>, vector<10000x128xbf16>,
    return
  }
}

module attributes {stable_mosaic.version = 14 : i64} {
  func.func @_final_kernel(%arg0: memref<10000x128xbf16, #tpu.memory_space<vmem>>, %arg1: memref<2x10112x128xbf16, #tpu.memory_space<vmem>>, %arg2: memref<10000x128xbf16, #tpu.memory_space<vmem>>, %arg3: memref<10000x128xf32, #tpu.memory_space<vmem>>, %arg4: memref<128xf32, #tpu.memory_space<vmem>>, %arg5: memref<32x10112xf32, #tpu.memory_space<vmem>>, %arg6: memref<10000x128xf32, #tpu.memory_space<vmem>>) attributes {dimension_semantics = [], scalar_prefetch = 0 : i64, scratch_operands = 0 : i64, tpu.core_type = #tpu.core_type<tc>} {
    %get3A = arith.constant 0 : index
    %get3A_0 = arith.constant 0 : index
    %get3A_1 = vector.load %arg5[%get3A, %get3A_0] : memref<32x10112xf32, #tpu.memory_space<vmem>>, vector<32x10000xf32>
    %reduce_sum3A = arith.constant dense<0.000000e+00> : vector<10000xf32>
    %reduce_sum3A_2 = vector.multi_reduction <add>, %get3A_1, %reduce_sum3A [0] : vector<32x10000xf32> to vector<10000xf32>
    %add3A = arith.constant 1.000000e+00 : f32
    %add3A_3 = vector.broadcast %add3A : f32 to vector<10000xf32>
    %add3A_4 = arith.addf %reduce_sum3A_2, %add3A_3 : vector<10000xf32>
    %rsqrt3A = math.rsqrt %add3A_4 : vector<10000xf32>
    %get3A_5 = arith.constant 0 : index
    %get3A_6 = arith.constant 0 : index
    %get3A_7 = arith.constant 0 : index
    %get3A_8 = vector.load %arg1[%get3A_5, %get3A_6, %get3A_7] : memref<2x10112x128xbf16, #tpu.memory_space<vmem>>, vector<1x10000x128xbf16>
    %get3A_9 = vector.shape_cast %get3A_8 : vector<1x10000x128xbf16> to vector<10000x128xbf16>
    %convert_element_type3A = arith.extf %get3A_9 : vector<10000x128xbf16> to vector<10000x128xf32>
    %get3A_10 = arith.constant 1 : index
    %get3A_11 = arith.constant 0 : index
    %get3A_12 = arith.constant 0 : index
    %get3A_13 = vector.load %arg1[%get3A_10, %get3A_11, %get3A_12] : memref<2x10112x128xbf16, #tpu.memory_space<vmem>>, vector<1x10000x128xbf16>
    %get3A_14 = vector.shape_cast %get3A_13 : vector<1x10000x128xbf16> to vector<10000x128xbf16>
    %convert_element_type3A_15 = arith.extf %get3A_14 : vector<10000x128xbf16> to vector<10000x128xf32>
    %add3A_16 = arith.addf %convert_element_type3A, %convert_element_type3A_15 : vector<10000x128xf32>
    %get3A_17 = arith.constant 0 : index
    %get3A_18 = arith.constant 0 : index
    %get3A_19 = vector.load %arg2[%get3A_17, %get3A_18] : memref<10000x128xbf16, #tpu.memory_space<vmem>>, vector<10000x128xbf16>
    %convert_element_type3A_20 = arith.extf %get3A_19 : vector<10000x128xbf16> to vector<10000x128xf32>
    %add3A_21 = arith.addf %add3A_16, %convert_element_type3A_20 : vector<10000x128xf32>
    %broadcast_in_dim3A = vector.shape_cast %rsqrt3A : vector<10000xf32> to vector<10000x1xf32>
    %mul3A = vector.broadcast %broadcast_in_dim3A : vector<10000x1xf32> to vector<10000x128xf32>
    %mul3A_22 = arith.mulf %mul3A, %add3A_21 : vector<10000x128xf32>
    %get3A_23 = arith.constant 0 : index
    %get3A_24 = vector.load %arg4[%get3A_23] : memref<128xf32, #tpu.memory_space<vmem>>, vector<128xf32>
    %broadcast_in_dim3A_25 = vector.shape_cast %get3A_24 : vector<128xf32> to vector<1x128xf32>
    %add3A_26 = vector.broadcast %broadcast_in_dim3A_25 : vector<1x128xf32> to vector<10000x128xf32>
    %add3A_27 = arith.addf %mul3A_22, %add3A_26 : vector<10000x128xf32>
    %get3A_28 = arith.constant 0 : index
    %get3A_29 = arith.constant 0 : index
    %get3A_30 = vector.load %arg3[%get3A_28, %get3A_29] : memref<10000x128xf32, #tpu.memory_space<vmem>>, vector<10000x128xf32>
    %add3A_31 = arith.addf %add3A_27, %get3A_30 : vector<10000x128xf32>
    %get3A_32 = arith.constant 0 : index
    %get3A_33 = arith.constant 0 : index
    %get3A_34 = vector.load %arg0[%get3A_32, %get3A_33] : memref<10000x128xbf16, #tpu.memory_space<vmem>>, vector<10000x128xbf16>
    %convert_element_type3A_35 = arith.extf %get3A_34 : vector<10000x128xbf16> to vector<10000x128xf32>
    %max3A = arith.constant 0.000000e+00 : f32
    %max3A_36 = vector.broadcast %max3A : f32 to vector<10000x128xf32>
    %max3A_37 = arith.maximumf %add3A_31, %max3A_36 : vector<10000x128xf32>
    %add3A_38 = arith.addf %convert_element_type3A_35, %max3A_37 : vector<10000x128xf32>
    %swap3A = arith.constant 0 : index
    %swap3A_39 = arith.constant 0 : index
    %swap3A_40 = vector.load %arg6[%swap3A, %swap3A_39] : memref<10000x128xf32, #tpu.memory_space<vmem>>, vector<10000x128xf32>
    tpu.vector_store %arg6[%swap3A, %swap3A_39], %add3A_38 {strides = array<i32>} : memref<10000x128xf32, #tpu.memory_space<vmem>>, vector<10000x128xf32>,
    return
  }
}

</mosaic_0001>

<sc_bundles>
// kernel: kernel.10.cloned.1.call-start
scs
__scs_entry_jumppad:
0x0: {  	(pc) =	sbr.rel $0x88, $3  }
0x1: {  	(tag) =	ssettag $0x0;
	lr =	simm.s32 $0x1  }
0x2: {  	[smem:$0x3F99] =	sst lr;
	_ =	strace $0xD0000000  }
0x3: {  	_ = 	snop  }
0x4: {  	_ = 	snop  }
0x5: {  	_ = 	snop  }
0x6: {  	_ = 	snop  }
0x7: {  	_ = 	snop  }
__scs_overlays_trampoline_lowered:
0x8: {  	[smem:$0x3FA8] =	sst s0  }
0x9: {  	[smem:$0x3FA9] =	sst s1  }
0xa: {  	[smem:$0x3FAA] =	sst s2  }
0xb: {  	[smem:$0x3FAB] =	sst s3  }
0xc: {  	[smem:$0x3FAC] =	sst s4  }
0xd: {  	[smem:$0x3FAD] =	sst s5  }
0xe: {  	[smem:$0x3FAE] =	sst s6  }
0xf: {  	[smem:$0x3FAF] =	sst s7  }
0x10: {  	[smem:$0x3FB0] =	sst s8  }
0x11: {  	[smem:$0x3FB1] =	sst s9;
	s0 =	simm.s32 @!p0 $0x0  }
0x12: {  	s1 =	sld [smem:$0x3F97];
	s0 =	simm.s32 @p0 $0x1  }
0x13: {  	[smem:$0x3FB2] =	sst s0;
	s0 =	simm.s32 @!p1 $0x0  }
0x14: {  	s2 =	sld [smem:$0x3F96];
	s0 =	simm.s32 @p1 $0x1  }
0x15: {  	[smem:$0x3FB3] =	sst s0;
	s0 =	simm.s32 @!p2 $0x0  }
0x16: {  	s3 =	sld [smem:$0x3FDB];
	s0 =	simm.s32 @p2 $0x1  }
0x17: {  	s4 =	simm.s32 $0x1BF5;
	[smem:$0x3FB5] =	sst s0  }
0x18: {  	s0 =	sld [smem:$0x3F98];
	_ =	swait.ge [sflag:s4], $0x0  }
0x19: {  	s7 =	sld [smem:$0x3F99]  }
0x1a: {  	s8 =	sadd.s32 $0xFFFFE003, lr  }
0x1b: {  	s9 =	sadd.s32 $0xFFFFFEF7, lr;
	s5 =	simm.s32 $0xFFFFFFFF;
	p2 =	slt.u32 s8, $0xFFFFF086  }
0x1c: {  	p1 =	slt.u32 s9, $0xF7A;
	s5 =	simm.s32 @!p2 $0x0  }
0x1d: {  	s5 =	simm.s32 @p1 $0x1;
	p0 =	seq.s32 s7, s2  }
0x1e: {  	s7 =	smul.u32 @!p0 $0xF7A, s2;
	p2 =	seq.s32 @!p0 s5, $0x0  }
0x1f: {  	s9 =	smul.u32 $0xF7A, s1;
	s8 =	simm.s32 @!p0 $0x1BF5;
	p2 =	por !p2, p0  }
0x20: {  	[sflag:s8] =	ssyncset.s32 @!p0 $0xFFFFF086;
	s6 =	sadd.s32 @!p0 s3, s7;
	s7 =	simm.s32 @!p0 $0x108  }
0x21: {  	s3 =	sadd.s32 s3, s9;
	s6 =	sadd.s32 @!p0 $0x88, s6;
	s7 =	simm.s32 @p2 $0x1082  }
0x22: {  	[simem:s7], [sflag:s8] =	dma.local @!p0 [hbm:s6], $0xF7A  }
0x23: {  	s9 =	sor.u32 $0xD0000000, s2;
	s6 =	simm.s32 $0x108;
	_ =	swait.ge @!p0 [sflag:s8], $0x0  }
0x24: {  	s3 =	sadd.s32 $0x88, s3;
	s6 =	simm.s32 @!p1 $0x1082;
	[sflag:s4] =	ssyncset.s32 $0xFFFFF086  }
0x25: {  	[simem:s6], [sflag:s4] =	dma.local [hbm:s3], $0xF7A  }
0x26: {  	[smem:$0x3F99] =	sst s1;
	(tag) =	ssettag s2;
	_ =	strace s9  }
0x27: {  	s1 =	sld [smem:$0x3FA9]  }
0x28: {  	s2 =	sld [smem:$0x3FAA]  }
0x29: {  	s4 =	sld [smem:$0x3FAC]  }
0x2a: {  	p0 =	seq.s32 s5, $0x0;
	s5 =	sld [smem:$0x3FAD]  }
0x2b: {  	s6 =	sld [smem:$0x3FAE]  }
0x2c: {  	s7 =	sld [smem:$0x3FAF]  }
0x2d: {  	s3 =	simm.s32 $0x108;
	s8 =	sld [smem:$0x3FB0]  }
0x2e: {  	s3 =	simm.s32 @!p0 $0x1082;
	s9 =	sld [smem:$0x3FB1]  }
0x2f: {  	lr =	sadd.s32 s0, s3;
	s0 =	sld [smem:$0x3FA8]  }
0x30: {  	s3 =	sld [smem:$0x3FAB]  }
0x31: {  	[smem:$0x3FB4] =	sst s10  }
0x32: {  	s10 =	sld [smem:$0x3FB2];
	_ =	sdelay $0x3  }
0x33: {  	p0 =	seq.s32 s10, $0x1;
	s10 =	sld [smem:$0x3FB4];
	_ =	sdelay $0x3  }
0x34: {  	[smem:$0x3FB4] =	sst s10  }
0x35: {  	s10 =	sld [smem:$0x3FB3];
	_ =	sdelay $0x3  }
0x36: {  	p1 =	seq.s32 s10, $0x1;
	s10 =	sld [smem:$0x3FB4];
	_ =	sdelay $0x3  }
0x37: {  	[smem:$0x3FB4] =	sst s10  }
0x38: {  	s10 =	sld [smem:$0x3FB5]  }
0x39: {  	_ = 	snop;
	(pc) =	sbr.ind lr, $3  }
0x3a: {  	_ = 	snop  }
0x3b: {  	_ = 	snop  }
0x3c: {  	p2 =	seq.s32 s10, $0x1;
	s10 =	sld [smem:$0x3FB4]  }
0x3d: {  	_ =	shalt  }
0x3e: {  	_ =	shalt  }
0x3f: {  	_ =	shalt  }
0x40: {  	_ =	shalt  }
0x41: {  	_ =	shalt  }
0x42: {  	_ =	shalt  }
0x43: {  	_ =	shalt  }
0x44: {  	_ =	shalt  }
0x45: {  	_ =	shalt  }
0x46: {  	_ =	shalt  }
0x47: {  	_ =	shalt  }
0x48: {  	_ =	shalt  }
0x49: {  	_ =	shalt  }
0x4a: {  	_ =	shalt  }
0x4b: {  	_ =	shalt  }
0x4c: {  	_ =	shalt  }
0x4d: {  	_ =	shalt  }
0x4e: {  	_ =	shalt  }
0x4f: {  	_ =	shalt  }
0x50: {  	_ =	shalt  }
0x51: {  	_ =	shalt  }
0x52: {  	_ =	shalt  }
0x53: {  	_ =	shalt  }
0x54: {  	_ =	shalt  }
0x55: {  	_ =	shalt  }
0x56: {  	_ =	shalt  }
0x57: {  	_ =	shalt  }
0x58: {  	_ =	shalt  }
0x59: {  	_ =	shalt  }
0x5a: {  	_ =	shalt  }
0x5b: {  	_ =	shalt  }
0x5c: {  	_ =	shalt  }
0x5d: {  	_ =	shalt  }
0x5e: {  	_ =	shalt  }
0x5f: {  	_ =	shalt  }
0x60: {  	_ =	shalt  }
0x61: {  	_ =	shalt  }
0x62: {  	_ =	shalt  }
0x63: {  	_ =	shalt  }
0x64: {  	_ =	shalt  }
0x65: {  	_ =	shalt  }
0x66: {  	_ =	shalt  }
0x67: {  	_ =	shalt  }
0x68: {  	_ =	shalt  }
0x69: {  	_ =	shalt  }
0x6a: {  	_ =	shalt  }
0x6b: {  	_ =	shalt  }
0x6c: {  	_ =	shalt  }
0x6d: {  	_ =	shalt  }
0x6e: {  	_ =	shalt  }
0x6f: {  	_ =	shalt  }
0x70: {  	_ =	shalt  }
0x71: {  	_ =	shalt  }
0x72: {  	_ =	shalt  }
0x73: {  	_ =	shalt  }
0x74: {  	_ =	shalt  }
0x75: {  	_ =	shalt  }
0x76: {  	_ =	shalt  }
0x77: {  	_ =	shalt  }
0x78: {  	_ =	shalt  }
0x79: {  	_ =	shalt  }
0x7a: {  	_ =	shalt  }
0x7b: {  	_ =	shalt  }
0x7c: {  	_ =	shalt  }
0x7d: {  	_ =	shalt  }
0x7e: {  	_ =	shalt  }
0x7f: {  	_ =	shalt  }
0x80: {  	_ =	shalt  }
0x81: {  	_ =	shalt  }
0x82: {  	_ =	shalt  }
0x83: {  	_ =	shalt  }
0x84: {  	_ =	shalt  }
0x85: {  	_ =	shalt  }
0x86: {  	_ =	shalt  }
0x87: {  	_ =	shalt  }
.Lfunc_end0:
.L_simem_size_0:
called_computation.1_lowered:
.L_overlay_start_0:
0x88: {  	s2 =	sld [smem:$0x3FD9]  }
0x89: {  	s3 =	sld [smem:$0x3FFE];
	_ =	sdelay $0x1  }
0x8a: {  	s1 =	srdreg.scid  }
0x8b: {  	s0 =	sand.u32 $0x1, s1  }
0x8c: {  	s17 =	sshll.u32 s0, $0xA;
	s2 =	sadd.s32 s3, s2  }
0x8d: {  	s2 =	sadd.s32 s2, s17  }
0x8e: {  	[smem:$0x3FC0] =	sst s2  }
0x8f: {  	_ = 	snop  }
0x90: {  	s2 =	sld [smem:$0x3FD0];
	(tm) =	ssettm $0x1  }
0x91: {  	s18 =	sld [smem:$0x3FFB];
	_ =	sdelay $0x3  }
0x92: {  	_ =	strace s18  }
0x93: {  	s3 =	sld [smem:$0x3FFC];
	_ =	sdelay $0x3  }
0x94: {  	_ =	strace s3  }
0x95: {  	s3 =	sld [smem:$0x3FFD];
	_ =	sdelay $0x3  }
0x96: {  	_ =	strace s3  }
0x97: {  	_ =	strace $0x8FFFFFFF  }
0x98: {  	s19 =	sld [smem:$0x3FDB];
	_ =	sdelay $0x1  }
0x99: {  	s4 =	simm.s32 $_scs_section_size  }
0x9a: {  	s5 =	simm.s32 $_size__tile_overlayer_lowered;
	s6 =	simm.s32 $_tile_overlayer_lowered  }
0x9b: {  	s22 =	simm.s32 $0x1BFF;
	s21 =	sshll.u32 s6, $0x1;
	s3 =	sadd.s32 s4, s19  }
0x9c: {  	s7 =	simm.s32 $0x0;
	s20 =	sshll.u32 s5, $0x1;
	s5 =	sadd.s32 s21, s3  }
0x9d: {  	[timem:s7], [sflag:s22] =	dma.local [hbm:s5], s20  }
0x9e: {  	_ =	swait.ge [sflag:s22], s20  }
0x9f: {  	s4 =	ssub.s32 $0x0, s20;
	[sflag:s22] =	ssyncset.done $0x0  }
0xa0: {  	[sflag:s22] =	ssyncadd.s32 s4;
	_ =	sdelay $0x1  }
0xa1: {  	s23 =	simm.s32 $0x1B8B  }
0xa2: {  	_ =	swait.ge [sflag:s23], $0x1  }
0xa3: {  	[sflag:s23] =	ssyncset.done $0x0  }
0xa4: {  	s25 =	simm.s32 $0x1B8E;
	s24 =	sld [smem:$0x3FFE];
	[sflag:s23] =	ssyncadd.s32 $0xFFFFFFFF  }
0xa5: {  	s26 =	simm.s32 $execute0_lowered;
	[smem:$0x3FD2] =	sst s25  }
0xa6: {  	s5 =	sshll.u32 s26, $0x1;
	_ =	strace $0x80000049;
	[dreg:$0x1] =	wrdreg $0xFFFFFFFF  }
0xa7: {  	s28 =	simm.s32 $_size_execute0_lowered;
	s3 =	sadd.s32 s3, s5;
	[dreg:$0x0] =	wrdreg $0x0  }
0xa8: {  	s5 =	sshll.u32 s28, $0x1;
	[dreg:$0x2] =	wrdreg s3  }
0xa9: {  	[dreg:$0x3] =	wrdreg s5  }
0xaa: {  	[dreg:$0x4] =	wrdreg $0xC0  }
0xab: {  	_ =	task [dreg:s7], $0x5FFFF  }
0xac: {  	[dreg:$0x1] =	wrdreg $0xFFFFFFFF  }
0xad: {  	[dreg:$0x0] =	wrdreg $0x60  }
0xae: {  	[dreg:$0x2] =	wrdreg s24  }
0xaf: {  	[dreg:$0x3] =	wrdreg s2  }
0xb0: {  	[dreg:$0x4] =	wrdreg $0xED000  }
0xb1: {  	[dreg:$0x5] =	wrdreg $0x9  }
0xb2: {  	_ =	task.clear_ibuf [dreg:s7], $0x6FFFF;
	_ =	strace $0x90000049  }
0xb3: {  	s29 =	simm.s32 $0x9;
	_ =	strace $0x8000004B  }
0xb4: {  	_ =	swait.ge [sflag:s29], $0x1  }
0xb5: {  	[sflag:s29] =	ssyncadd.s32 $0xFFFFFFFF  }
0xb6: {  	_ =	strace $0x9000004B  }
0xb7: {  	_ =	sfence  }
0xb8: {  	s30 =	sld [smem:$0x0];
	_ =	sdelay $0x2  }
0xb9: {  	s31 =	sshll.u32 s1, $0xD;
	s1 =	sshrl.u32 s1, $0x2  }
0xba: {  	s3 =	sand.u32 $0x4000, s31;
	s1 =	sadd.s32 s1, s30  }
0xbb: {  	s0 =	sor.u32 s3, s0;
	s1 =	sshll.u32 s1, $0x11  }
0xbc: {  	s0 =	sor.u32 s1, s0  }
0xbd: {  	s0 =	sadd.s32 $0x8F2B, s0  }
0xbe: {  	[sflag:s0] =	ssyncadd.remote.s32 $0x1  }
0xbf: {  	_ =	sfence.sel $0xFFFF  }
0xc0: {  	[dreg:$0x0] =	wrdreg $0xFFFFFFFF;
	(pc) =	sbr.abs _section_cstart, $3  }
0xc1: {  	[dreg:$0x1] =	wrdreg $0xFFFFFFFF  }
0xc2: {  	_ =	task.clear_ibuf [dreg:s7], $0x2FFFF;
	_ =	strace $0x9FFFFFFF  }
0xc3: {  	(tm) =	ssettm $0x7FFFFFFF  }
tec
execute0_lowered:
.L_overlay_start_1:
0x0: {  	(tag) =	ssettag $0x1  }
0x1: {  	s0 =	rddreg [dreg:$0x0]  }
0x2: {  	s1 =	rddreg [dreg:$0x1]  }
0x3: {  	s2 =	rddreg [dreg:$0x2]  }
0x4: {  	s3 =	srdreg.scid;
	s9 =	stileid.u32  }
0x5: {  	s14 =	simm.s32 $0x3;
	s15 =	simm.s32 $0x2800;
	s16 =	simm.s32 $0x5000  }
0x6: {  	s17 =	simm.s32 $0x7D;
	s18 =	simm.s32 $0x7000;
	s20 =	simm.s32 $0x8F40  }
0x7: {  	s21 =	simm.s32 $0x1;
	s23 =	simm.s32 $0xAE80;
	s28 =	simm.s32 $0x2  }
0x8: {  	s30 =	simm.s32 $0x280;
	s4 =	sand.u32 $0x1, s3;
	s6 =	smul.u32 $0x13C00, s9  }
0x9: {  	s3 =	simm.s32 $0x0;
	s7 =	sshll.u32 s9, $0x1;
	s9 =	smul.u32 $0x27800, s9  }
0xa: {  	s31 =	simm.s32 $0x2900;
	s5 =	smul.u32 $0x13C000, s4;
	[smem:$0x7FF] =	sst s3  }
0xb: {  	s7 =	sor.u32 s4, s7;
	s8 =	ssub.s32 $0x2, s4;
	s4 =	sadd.s32 $0x2C00, s0  }
0xc: {  	_ =	strace $0x8000004A;
	s7 =	smul.u32 $0x2800, s7;
	s24 =	sshrl.u32 s8, $0x1  }
0xd: {  	s26 =	sshrl.u32 s9, $0x2;
	s29 =	sshrl.u32 s6, $0x1;
	s5 =	sadd.s32 s6, s5  }
0xe: {  	s13 =	ssub.s32 s8, s24;
	s11 =	sadd.s32 s26, s2;
	s5 =	sshrl.u32 s5, $0x4  }
.Ltmp0:
0xf: {  	s25 =	sshrl.u32 s7, $0x3;
	s7 =	sadd.s32 s29, s2;
	(pc) =	sbr.rel .LBB2_1-.Ltmp0, $4  }
0x10: {  	s8 =	sadd.s32 $0x2000, s11;
	s9 =	sadd.s32 $0x4000, s11;
	s10 =	sadd.s32 $0x6000, s11  }
0x11: {  	s11 =	sadd.s32 $0x8000, s11;
	s13 =	smax.u32 s13, $0x1;
	s0 =	sadd.s32 s5, s0  }
0x12: {  	s5 =	sadd.s32 s1, s25;
	s25 =	simm.s32 $0xCDC0;
	s1 =	simm.s32 $0x0  }
0x13: {  	v0 =	vimm.bf16 $0.0e+00;
	s6 =	sadd.s32 $0xA000, s5;
	s12 =	sadd.s32 $0x16600, s0;
	s0 =	simm.s32 $0x2980  }
.LBB2_6:
0x14: {  	[spmem:s2] =	stream.indirect.scatter.add.bf16 [tilespmem:s23], [sflag:$0x2], $0x40, s26, s17, $0xb8;
	[tilespmem:$0x18B20] =	vst v63  }
0x15: {  	_ = 	snop  }
0x16: {  	[spmem:s2] =	stream.indirect.scatter.add.bf16 [tilespmem:s25], [sflag:$0x2], $0x40, s24, s17, $0xb8;
	[tilespmem:$0x18B20] =	vst v63  }
0x17: {  	_ =	swait.ge [sflag:s28], $0x1F40  }
0x18: {  	[sflag:s28] =	ssyncset.done $0x0  }
0x19: {  	[sflag:s28] =	ssyncadd.s32 $0xFFFFE0C0  }
0x1a: {  	_ =	swait.ge [sflag:s28], $0x1F40  }
0x1b: {  	[sflag:s28] =	ssyncset.done $0x0  }
0x1c: {  	[sflag:s28] =	ssyncadd.s32 $0xFFFFE0C0  }
0x1d: {  	_ =	swait.ge [sflag:s28], $0x1F40  }
0x1e: {  	[sflag:s28] =	ssyncset.done $0x0  }
0x1f: {  	[sflag:s28] =	ssyncadd.s32 $0xFFFFE0C0  }
0x20: {  	s19 =	stileid.u32;
	_ =	swait.ge [sflag:s28], $0x1F40  }
0x21: {  	s22 =	sshrl.u32 s7, $0x3;
	s1 =	sadd.s32 $0x1, s1;
	[sflag:s28] =	ssyncset.done $0x0  }
0x22: {  	s19 =	sshll.u32 s19, $0x6;
	p0 =	sne.s32 s1, s13;
	[sflag:s28] =	ssyncadd.s32 $0xFFFFE0C0  }
.Ltmp1:
0x23: {  	s19 =	sor.u32 $0x1C03, s19;
	[bflag:$0x0] =	sbarrier.arrive $0xFFFF;
	(pc) =	sbr.rel @!p0 .LBB2_7-.Ltmp1, $4  }
0x24: {  	[hbm:s12], [sflag:s19] =	dma.local [spmem:s22], $0x13C0  }
0x25: {  	_ =	swait.ge [sflag:s14], $0x13C0  }
0x26: {  	[sflag:s14] =	ssyncset.done $0x0  }
0x27: {  	[sflag:s14] =	ssyncadd.s32 $0xFFFFEC40  }
.LBB2_1:
0x28: {  	[tilespmem:s3], [sflag:$0x3] =	stream.linear.gather [hbm4b:s5+s3], $0x2800, $0x38;
	[tilespmem:$0x18B20] =	vst v63  }
0x29: {  	_ =	swait.ge [sflag:s14], $0x2800  }
0x2a: {  	[sflag:s14] =	ssyncset.done $0x0  }
0x2b: {  	[sflag:s14] =	ssyncadd.s32 $0xFFFFD800  }
0x2c: {  	[tilespmem:s15], [sflag:$0x3] =	stream.linear.gather [hbm4b:s6+s3], $0x2800, $0x38;
	[tilespmem:$0x18B20] =	vst v63  }
0x2d: {  	s19 =	sand.u32 $0x7F00, s3;
	s22 =	sand.u32 $0x60, s3;
	_ =	swait.ge [sflag:s14], $0x2800  }
0x2e: {  	s19 =	sshrl.u32 s19, $0x2;
	s22 =	sshrl.u32 s22, $0x1;
	[sflag:s14] =	ssyncset.done $0x0  }
0x2f: {  	s22 =	sor.u32 s22, s19;
	[sflag:s14] =	ssyncadd.s32 $0xFFFFD800  }
0x30: {  	s19 =	simm.s32 $0x40;
	[tilespmem:s22+$0x5000] =	vst v0;
	s22 =	simm.s32 $0x0  }
.LBB2_2:
0x31: {  	p0 =	sne.s32 s19, $0x7FC0  }
.Ltmp2:
0x32: {  	s24 =	sand.u32 $0x7F00, s19;
	s22 =	sadd.s32 $0x20, s22;
	(pc) =	sbr.rel @p0 .LBB2_2-.Ltmp2, $4  }
0x33: {  	s19 =	sadd.s32 $0x40, s19;
	s26 =	sand.u32 $0x60, s22  }
0x34: {  	s24 =	sshrl.u32 s24, $0x2;
	s26 =	sshrl.u32 s26, $0x1  }
0x35: {  	s24 =	sor.u32 s26, s24  }
0x36: {  	[tilespmem:s24+$0x5000] =	vst v0  }
0x37: {  	[spmem:s7] =	stream.linear.scatter [tilespmem:s16], [sflag:$0x3], $0x2000, $0x38;
	[tilespmem:$0x18B20] =	vst v63  }
0x38: {  	_ =	swait.ge [sflag:s14], $0x2000  }
0x39: {  	[sflag:s14] =	ssyncset.done $0x0  }
0x3a: {  	[sflag:s14] =	ssyncadd.s32 $0xFFFFE000  }
0x3b: {  	[spmem:s8] =	stream.linear.scatter [tilespmem:s16], [sflag:$0x3], $0x2000, $0x38;
	[tilespmem:$0x18B20] =	vst v63  }
0x3c: {  	_ =	swait.ge [sflag:s14], $0x2000  }
0x3d: {  	[sflag:s14] =	ssyncset.done $0x0  }
0x3e: {  	[sflag:s14] =	ssyncadd.s32 $0xFFFFE000  }
0x3f: {  	[spmem:s9] =	stream.linear.scatter [tilespmem:s16], [sflag:$0x3], $0x2000, $0x38;
	[tilespmem:$0x18B20] =	vst v63  }
0x40: {  	_ =	swait.ge [sflag:s14], $0x2000  }
0x41: {  	[sflag:s14] =	ssyncset.done $0x0  }
0x42: {  	[sflag:s14] =	ssyncadd.s32 $0xFFFFE000  }
0x43: {  	[spmem:s10] =	stream.linear.scatter [tilespmem:s16], [sflag:$0x3], $0x2000, $0x38;
	[tilespmem:$0x18B20] =	vst v63  }
0x44: {  	_ =	swait.ge [sflag:s14], $0x2000  }
0x45: {  	[sflag:s14] =	ssyncset.done $0x0  }
0x46: {  	[sflag:s14] =	ssyncadd.s32 $0xFFFFE000  }
0x47: {  	[spmem:s11] =	stream.linear.scatter [tilespmem:s16], [sflag:$0x3], $0x1E00, $0x38;
	[tilespmem:$0x18B20] =	vst v63  }
0x48: {  	_ =	swait.ge [sflag:s14], $0x1E00  }
0x49: {  	[sflag:s14] =	ssyncset.done $0x0  }
0x4a: {  	[sflag:s14] =	ssyncadd.s32 $0xFFFFE200  }
0x4b: {  	s19 =	simm.s32 $0x0;
	[bflag:$0x0] =	sbarrier.arrive $0xFFFF  }
0x4c: {  	[tilespmem:s18], [sflag:$0x1] =	stream.indirect.gather [hbm4b:s4+s17], $0x40, s19, s17, $0xb8;
	[tilespmem:$0x18B20] =	vst v63  }
0x4d: {  	s22 =	simm.s32 $0x80  }
0x4e: {  	[tilespmem:s20], [sflag:$0x1] =	stream.indirect.gather [hbm4b:s4+s17], $0x40, s22, s17, $0xb8;
	[tilespmem:$0x18B20] =	vst v63  }
0x4f: {  	_ =	swait.ge [sflag:s21], $0x1F40  }
0x50: {  	[sflag:s21] =	ssyncset.done $0x0  }
0x51: {  	[sflag:s21] =	ssyncadd.s32 $0xFFFFE0C0  }
0x52: {  	_ =	swait.ge [sflag:s21], $0x1F40  }
0x53: {  	[sflag:s21] =	ssyncset.done $0x0  }
0x54: {  	s29 =	simm.s32 $0x100;
	[sflag:s21] =	ssyncadd.s32 $0xFFFFE0C0  }
0x55: {  	[tilespmem:s23], [sflag:$0x1] =	stream.indirect.gather [hbm4b:s4+s17], $0x40, s29, s17, $0xb8;
	[tilespmem:$0x18B20] =	vst v63  }
0x56: {  	s24 =	simm.s32 $0x180  }
0x57: {  	[tilespmem:s25], [sflag:$0x1] =	stream.indirect.gather [hbm4b:s4+s17], $0x40, s24, s17, $0xb8;
	[tilespmem:$0x18B20] =	vst v63  }
0x58: {  	_ = 	snop  }
0x59: {  	[spmem:s2] =	stream.indirect.scatter.add.bf16 [tilespmem:s18], [sflag:$0x2], $0x40, s15, s17, $0xb8;
	[tilespmem:$0x18B20] =	vst v63  }
0x5a: {  	s26 =	simm.s32 $0x2880  }
0x5b: {  	[spmem:s2] =	stream.indirect.scatter.add.bf16 [tilespmem:s20], [sflag:$0x2], $0x40, s26, s17, $0xb8;
	[tilespmem:$0x18B20] =	vst v63  }
0x5c: {  	_ =	swait.ge [sflag:s21], $0x1F40  }
0x5d: {  	[sflag:s21] =	ssyncset.done $0x0  }
0x5e: {  	[sflag:s21] =	ssyncadd.s32 $0xFFFFE0C0  }
0x5f: {  	_ =	swait.ge [sflag:s21], $0x1F40  }
0x60: {  	[sflag:s21] =	ssyncset.done $0x0  }
0x61: {  	[sflag:s21] =	ssyncadd.s32 $0xFFFFE0C0  }
0x62: {  	_ =	swait.ge [sflag:s28], $0x1F40  }
0x63: {  	[sflag:s28] =	ssyncset.done $0x0  }
0x64: {  	[sflag:s28] =	ssyncadd.s32 $0xFFFFE0C0  }
0x65: {  	_ =	swait.ge [sflag:s28], $0x1F40  }
0x66: {  	[sflag:s28] =	ssyncset.done $0x0  }
0x67: {  	s29 =	simm.s32 $0x200;
	[sflag:s28] =	ssyncadd.s32 $0xFFFFE0C0  }
0x68: {  	[tilespmem:s18], [sflag:$0x1] =	stream.indirect.gather [hbm4b:s4+s17], $0x40, s29, s17, $0xb8;
	[tilespmem:$0x18B20] =	vst v63  }
0x69: {  	_ = 	snop  }
0x6a: {  	[tilespmem:s20], [sflag:$0x1] =	stream.indirect.gather [hbm4b:s4+s17], $0x40, s30, s17, $0xb8;
	[tilespmem:$0x18B20] =	vst v63  }
0x6b: {  	_ = 	snop  }
0x6c: {  	[spmem:s2] =	stream.indirect.scatter.add.bf16 [tilespmem:s23], [sflag:$0x2], $0x40, s31, s17, $0xb8;
	[tilespmem:$0x18B20] =	vst v63  }
0x6d: {  	_ = 	snop  }
0x6e: {  	[spmem:s2] =	stream.indirect.scatter.add.bf16 [tilespmem:s25], [sflag:$0x2], $0x40, s0, s17, $0xb8;
	[tilespmem:$0x18B20] =	vst v63  }
.LBB2_4:
0x6f: {  	_ =	swait.ge [sflag:s21], $0x1F40  }
0x70: {  	[sflag:s21] =	ssyncset.done $0x0  }
0x71: {  	[sflag:s21] =	ssyncadd.s32 $0xFFFFE0C0  }
0x72: {  	_ =	swait.ge [sflag:s21], $0x1F40  }
0x73: {  	[sflag:s21] =	ssyncset.done $0x0  }
0x74: {  	[sflag:s21] =	ssyncadd.s32 $0xFFFFE0C0  }
0x75: {  	_ =	swait.ge [sflag:s28], $0x1F40  }
0x76: {  	[sflag:s28] =	ssyncset.done $0x0  }
0x77: {  	[sflag:s28] =	ssyncadd.s32 $0xFFFFE0C0  }
0x78: {  	_ =	swait.ge [sflag:s28], $0x1F40  }
0x79: {  	s22 =	sshra.s32 s19, $0x2;
	[sflag:s28] =	ssyncset.done $0x0  }
0x7a: {  	s24 =	sadd.s32 $0x300, s22;
	[sflag:s28] =	ssyncadd.s32 $0xFFFFE0C0  }
0x7b: {  	[tilespmem:s23], [sflag:$0x1] =	stream.indirect.gather [hbm4b:s4+s17], $0x40, s24, s17, $0xb8;
	[tilespmem:$0x18B20] =	vst v63  }
0x7c: {  	s29 =	sadd.s32 $0x380, s22  }
0x7d: {  	[tilespmem:s25], [sflag:$0x1] =	stream.indirect.gather [hbm4b:s4+s17], $0x40, s29, s17, $0xb8;
	[tilespmem:$0x18B20] =	vst v63  }
0x7e: {  	s26 =	sadd.s32 $0x2A00, s22  }
0x7f: {  	[spmem:s2] =	stream.indirect.scatter.add.bf16 [tilespmem:s18], [sflag:$0x2], $0x40, s26, s17, $0xb8;
	[tilespmem:$0x18B20] =	vst v63  }
0x80: {  	s29 =	sadd.s32 $0x2A80, s22  }
0x81: {  	[spmem:s2] =	stream.indirect.scatter.add.bf16 [tilespmem:s20], [sflag:$0x2], $0x40, s29, s17, $0xb8;
	[tilespmem:$0x18B20] =	vst v63  }
0x82: {  	p0 =	seq.s32 s19, $0x9000;
	_ =	swait.ge [sflag:s21], $0x1F40  }
.Ltmp3:
0x83: {  	[sflag:s21] =	ssyncset.done $0x0;
	(pc) =	sbr.rel @p0 .LBB2_6-.Ltmp3, $4  }
0x84: {  	[sflag:s21] =	ssyncadd.s32 $0xFFFFE0C0  }
0x85: {  	_ =	swait.ge [sflag:s21], $0x1F40  }
0x86: {  	[sflag:s21] =	ssyncset.done $0x0  }
0x87: {  	s24 =	sadd.s32 $0x2B80, s22;
	s26 =	sadd.s32 $0x2B00, s22;
	[sflag:s21] =	ssyncadd.s32 $0xFFFFE0C0  }
0x88: {  	_ =	swait.ge [sflag:s28], $0x1F40  }
0x89: {  	[sflag:s28] =	ssyncset.done $0x0  }
0x8a: {  	[sflag:s28] =	ssyncadd.s32 $0xFFFFE0C0  }
0x8b: {  	_ =	swait.ge [sflag:s28], $0x1F40  }
0x8c: {  	[sflag:s28] =	ssyncset.done $0x0  }
0x8d: {  	s29 =	sadd.s32 $0x400, s22;
	[sflag:s28] =	ssyncadd.s32 $0xFFFFE0C0  }
0x8e: {  	[tilespmem:s18], [sflag:$0x1] =	stream.indirect.gather [hbm4b:s4+s17], $0x40, s29, s17, $0xb8;
	[tilespmem:$0x18B20] =	vst v63  }
0x8f: {  	s29 =	sadd.s32 $0x480, s22  }
0x90: {  	[tilespmem:s20], [sflag:$0x1] =	stream.indirect.gather [hbm4b:s4+s17], $0x40, s29, s17, $0xb8;
	[tilespmem:$0x18B20] =	vst v63  }
.Ltmp4:
0x91: {  	_ = 	snop;
	(pc) =	sbr.rel .LBB2_4-.Ltmp4, $4  }
0x92: {  	_ = 	snop  }
0x93: {  	[spmem:s2] =	stream.indirect.scatter.add.bf16 [tilespmem:s23], [sflag:$0x2], $0x40, s26, s17, $0xb8;
	[tilespmem:$0x18B20] =	vst v63  }
0x94: {  	s19 =	sadd.s32 $0x800, s19  }
0x95: {  	[spmem:s2] =	stream.indirect.scatter.add.bf16 [tilespmem:s25], [sflag:$0x2], $0x40, s24, s17, $0xb8;
	[tilespmem:$0x18B20] =	vst v63  }
.LBB2_7:
0x96: {  	_ =	sfence.sel $0x180000  }
0x97: {  	[bflag:$0x0] =	sbarrier.arrive $0xFFFF  }
0x98: {  	_ =	strace $0x9000004A  }
0x99: {  	s0 =	stileid.u32;
	[bflag:$0x2] =	sbarrier.arrive $0xFFFF  }
0x9a: {  	p0 =	sne.s32 s0, $0x0;
	s0 =	rddreg [dreg:$0x3]  }
0x9b: {  	s0 =	sadd.s32 @!p0 $0x100000, s0  }
0x9c: {  	[sflag:s0] =	ssyncadd.tile.s32 @!p0 $0x1;
	_ =	shalt  }
.Lfunc_end2:
_tile_overlayer_lowered:
.L_overlay_start_2:
0x9d: {  	(tag) =	ssettag $0x2  }
0x9e: {  	s0 =	rddreg [dreg:$0x0];
	s2 =	stileid.u32  }
0x9f: {  	s1 =	rddreg [dreg:$0x1];
	p0 =	sne.s32 s2, $0x0  }
0xa0: {  	s3 =	rddreg [dreg:$0x2];
	[bflag:$0x3] =	sbarrier.arrive $0xFFFF;
	s2 =	simm.s32 @!p0 $0x1C03  }
0xa1: {  	[timem:s3], [sflag:s2] =	dma.local @!p0 [hbm:s0], s1  }
0xa2: {  	s0 =	simm.s32 @!p0 $0x3  }
0xa3: {  	_ =	swait.ge @!p0 [sflag:s0], s1  }
0xa4: {  	s1 =	ssub.s32 @!p0 $0x0, s1;
	[sflag:s0] =	ssyncset.done @!p0 $0x0  }
0xa5: {  	[sflag:s0] =	ssyncadd.s32 @!p0 s1  }
0xa6: {  	[bflag:$0x3] =	sbarrier.arrive $0xFFFF  }
0xa7: {  	_ =	shalt  }

// kernel: kernel.7.cloned.1.call-start
scs
__scs_entry_jumppad:
0x0: {  	(pc) =	sbr.rel $0x88, $3  }
0x1: {  	(tag) =	ssettag $0x0;
	lr =	simm.s32 $0x1  }
0x2: {  	[smem:$0x3F99] =	sst lr;
	_ =	strace $0xD0000000  }
0x3: {  	_ = 	snop  }
0x4: {  	_ = 	snop  }
0x5: {  	_ = 	snop  }
0x6: {  	_ = 	snop  }
0x7: {  	_ = 	snop  }
__scs_overlays_trampoline_lowered:
0x8: {  	[smem:$0x3FA8] =	sst s0  }
0x9: {  	[smem:$0x3FA9] =	sst s1  }
0xa: {  	[smem:$0x3FAA] =	sst s2  }
0xb: {  	[smem:$0x3FAB] =	sst s3  }
0xc: {  	[smem:$0x3FAC] =	sst s4  }
0xd: {  	[smem:$0x3FAD] =	sst s5  }
0xe: {  	[smem:$0x3FAE] =	sst s6  }
0xf: {  	[smem:$0x3FAF] =	sst s7  }
0x10: {  	[smem:$0x3FB0] =	sst s8  }
0x11: {  	[smem:$0x3FB1] =	sst s9;
	s0 =	simm.s32 @!p0 $0x0  }
0x12: {  	s1 =	sld [smem:$0x3F97];
	s0 =	simm.s32 @p0 $0x1  }
0x13: {  	[smem:$0x3FB2] =	sst s0;
	s0 =	simm.s32 @!p1 $0x0  }
0x14: {  	s2 =	sld [smem:$0x3F96];
	s0 =	simm.s32 @p1 $0x1  }
0x15: {  	[smem:$0x3FB3] =	sst s0;
	s0 =	simm.s32 @!p2 $0x0  }
0x16: {  	s3 =	sld [smem:$0x3FDB];
	s0 =	simm.s32 @p2 $0x1  }
0x17: {  	s4 =	simm.s32 $0x1BF5;
	[smem:$0x3FB5] =	sst s0  }
0x18: {  	s0 =	sld [smem:$0x3F98];
	_ =	swait.ge [sflag:s4], $0x0  }
0x19: {  	s7 =	sld [smem:$0x3F99]  }
0x1a: {  	s8 =	sadd.s32 $0xFFFFE003, lr  }
0x1b: {  	s9 =	sadd.s32 $0xFFFFFEF7, lr;
	s5 =	simm.s32 $0xFFFFFFFF;
	p2 =	slt.u32 s8, $0xFFFFF086  }
0x1c: {  	p1 =	slt.u32 s9, $0xF7A;
	s5 =	simm.s32 @!p2 $0x0  }
0x1d: {  	s5 =	simm.s32 @p1 $0x1;
	p0 =	seq.s32 s7, s2  }
0x1e: {  	s7 =	smul.u32 @!p0 $0xF7A, s2;
	p2 =	seq.s32 @!p0 s5, $0x0  }
0x1f: {  	s9 =	smul.u32 $0xF7A, s1;
	s8 =	simm.s32 @!p0 $0x1BF5;
	p2 =	por !p2, p0  }
0x20: {  	[sflag:s8] =	ssyncset.s32 @!p0 $0xFFFFF086;
	s6 =	sadd.s32 @!p0 s3, s7;
	s7 =	simm.s32 @!p0 $0x108  }
0x21: {  	s3 =	sadd.s32 s3, s9;
	s6 =	sadd.s32 @!p0 $0x88, s6;
	s7 =	simm.s32 @p2 $0x1082  }
0x22: {  	[simem:s7], [sflag:s8] =	dma.local @!p0 [hbm:s6], $0xF7A  }
0x23: {  	s9 =	sor.u32 $0xD0000000, s2;
	s6 =	simm.s32 $0x108;
	_ =	swait.ge @!p0 [sflag:s8], $0x0  }
0x24: {  	s3 =	sadd.s32 $0x88, s3;
	s6 =	simm.s32 @!p1 $0x1082;
	[sflag:s4] =	ssyncset.s32 $0xFFFFF086  }
0x25: {  	[simem:s6], [sflag:s4] =	dma.local [hbm:s3], $0xF7A  }
0x26: {  	[smem:$0x3F99] =	sst s1;
	(tag) =	ssettag s2;
	_ =	strace s9  }
0x27: {  	s1 =	sld [smem:$0x3FA9]  }
0x28: {  	s2 =	sld [smem:$0x3FAA]  }
0x29: {  	s4 =	sld [smem:$0x3FAC]  }
0x2a: {  	p0 =	seq.s32 s5, $0x0;
	s5 =	sld [smem:$0x3FAD]  }
0x2b: {  	s6 =	sld [smem:$0x3FAE]  }
0x2c: {  	s7 =	sld [smem:$0x3FAF]  }
0x2d: {  	s3 =	simm.s32 $0x108;
	s8 =	sld [smem:$0x3FB0]  }
0x2e: {  	s3 =	simm.s32 @!p0 $0x1082;
	s9 =	sld [smem:$0x3FB1]  }
0x2f: {  	lr =	sadd.s32 s0, s3;
	s0 =	sld [smem:$0x3FA8]  }
0x30: {  	s3 =	sld [smem:$0x3FAB]  }
0x31: {  	[smem:$0x3FB4] =	sst s10  }
0x32: {  	s10 =	sld [smem:$0x3FB2];
	_ =	sdelay $0x3  }
0x33: {  	p0 =	seq.s32 s10, $0x1;
	s10 =	sld [smem:$0x3FB4];
	_ =	sdelay $0x3  }
0x34: {  	[smem:$0x3FB4] =	sst s10  }
0x35: {  	s10 =	sld [smem:$0x3FB3];
	_ =	sdelay $0x3  }
0x36: {  	p1 =	seq.s32 s10, $0x1;
	s10 =	sld [smem:$0x3FB4];
	_ =	sdelay $0x3  }
0x37: {  	[smem:$0x3FB4] =	sst s10  }
0x38: {  	s10 =	sld [smem:$0x3FB5]  }
0x39: {  	_ = 	snop;
	(pc) =	sbr.ind lr, $3  }
0x3a: {  	_ = 	snop  }
0x3b: {  	_ = 	snop  }
0x3c: {  	p2 =	seq.s32 s10, $0x1;
	s10 =	sld [smem:$0x3FB4]  }
0x3d: {  	_ =	shalt  }
0x3e: {  	_ =	shalt  }
0x3f: {  	_ =	shalt  }
0x40: {  	_ =	shalt  }
0x41: {  	_ =	shalt  }
0x42: {  	_ =	shalt  }
0x43: {  	_ =	shalt  }
0x44: {  	_ =	shalt  }
0x45: {  	_ =	shalt  }
0x46: {  	_ =	shalt  }
0x47: {  	_ =	shalt  }
0x48: {  	_ =	shalt  }
0x49: {  	_ =	shalt  }
0x4a: {  	_ =	shalt  }
0x4b: {  	_ =	shalt  }
0x4c: {  	_ =	shalt  }
0x4d: {  	_ =	shalt  }
0x4e: {  	_ =	shalt  }
0x4f: {  	_ =	shalt  }
0x50: {  	_ =	shalt  }
0x51: {  	_ =	shalt  }
0x52: {  	_ =	shalt  }
0x53: {  	_ =	shalt  }
0x54: {  	_ =	shalt  }
0x55: {  	_ =	shalt  }
0x56: {  	_ =	shalt  }
0x57: {  	_ =	shalt  }
0x58: {  	_ =	shalt  }
0x59: {  	_ =	shalt  }
0x5a: {  	_ =	shalt  }
0x5b: {  	_ =	shalt  }
0x5c: {  	_ =	shalt  }
0x5d: {  	_ =	shalt  }
0x5e: {  	_ =	shalt  }
0x5f: {  	_ =	shalt  }
0x60: {  	_ =	shalt  }
0x61: {  	_ =	shalt  }
0x62: {  	_ =	shalt  }
0x63: {  	_ =	shalt  }
0x64: {  	_ =	shalt  }
0x65: {  	_ =	shalt  }
0x66: {  	_ =	shalt  }
0x67: {  	_ =	shalt  }
0x68: {  	_ =	shalt  }
0x69: {  	_ =	shalt  }
0x6a: {  	_ =	shalt  }
0x6b: {  	_ =	shalt  }
0x6c: {  	_ =	shalt  }
0x6d: {  	_ =	shalt  }
0x6e: {  	_ =	shalt  }
0x6f: {  	_ =	shalt  }
0x70: {  	_ =	shalt  }
0x71: {  	_ =	shalt  }
0x72: {  	_ =	shalt  }
0x73: {  	_ =	shalt  }
0x74: {  	_ =	shalt  }
0x75: {  	_ =	shalt  }
0x76: {  	_ =	shalt  }
0x77: {  	_ =	shalt  }
0x78: {  	_ =	shalt  }
0x79: {  	_ =	shalt  }
0x7a: {  	_ =	shalt  }
0x7b: {  	_ =	shalt  }
0x7c: {  	_ =	shalt  }
0x7d: {  	_ =	shalt  }
0x7e: {  	_ =	shalt  }
0x7f: {  	_ =	shalt  }
0x80: {  	_ =	shalt  }
0x81: {  	_ =	shalt  }
0x82: {  	_ =	shalt  }
0x83: {  	_ =	shalt  }
0x84: {  	_ =	shalt  }
0x85: {  	_ =	shalt  }
0x86: {  	_ =	shalt  }
0x87: {  	_ =	shalt  }
.Lfunc_end0:
.L_simem_size_0:
called_computation_lowered:
.L_overlay_start_0:
0x88: {  	s2 =	sld [smem:$0x3FD9]  }
0x89: {  	s3 =	sld [smem:$0x3FFE];
	_ =	sdelay $0x1  }
0x8a: {  	s1 =	srdreg.scid  }
0x8b: {  	s0 =	sand.u32 $0x1, s1  }
0x8c: {  	s16 =	sshll.u32 s0, $0xA;
	s2 =	sadd.s32 s3, s2  }
0x8d: {  	s2 =	sadd.s32 s2, s16  }
0x8e: {  	[smem:$0x3FC0] =	sst s2  }
0x8f: {  	_ = 	snop  }
0x90: {  	(tm) =	ssettm $0x1  }
0x91: {  	s17 =	sld [smem:$0x3FFB];
	_ =	sdelay $0x3  }
0x92: {  	_ =	strace s17  }
0x93: {  	s2 =	sld [smem:$0x3FFC];
	_ =	sdelay $0x3  }
0x94: {  	_ =	strace s2  }
0x95: {  	s2 =	sld [smem:$0x3FFD];
	_ =	sdelay $0x3  }
0x96: {  	_ =	strace s2  }
0x97: {  	_ =	strace $0x8FFFFFFF  }
0x98: {  	s18 =	sld [smem:$0x3FDB];
	_ =	sdelay $0x1  }
0x99: {  	s19 =	simm.s32 $_scs_section_size  }
0x9a: {  	s4 =	simm.s32 $_size__tile_overlayer_lowered;
	s5 =	simm.s32 $_tile_overlayer_lowered  }
0x9b: {  	s22 =	simm.s32 $0x1BFF;
	s21 =	sshll.u32 s5, $0x1;
	s2 =	sadd.s32 s19, s18  }
0x9c: {  	s6 =	simm.s32 $0x0;
	s20 =	sshll.u32 s4, $0x1;
	s4 =	sadd.s32 s21, s2  }
0x9d: {  	[timem:s6], [sflag:s22] =	dma.local [hbm:s4], s20  }
0x9e: {  	_ =	swait.ge [sflag:s22], s20  }
0x9f: {  	s3 =	ssub.s32 $0x0, s20;
	[sflag:s22] =	ssyncset.done $0x0  }
0xa0: {  	[sflag:s22] =	ssyncadd.s32 s3;
	_ =	sdelay $0x1  }
0xa1: {  	s23 =	simm.s32 $0x1B8B  }
0xa2: {  	_ =	swait.ge [sflag:s23], $0x1  }
0xa3: {  	[sflag:s23] =	ssyncset.done $0x0  }
0xa4: {  	s25 =	simm.s32 $0x1B8E;
	s24 =	sld [smem:$0x3FFE];
	[sflag:s23] =	ssyncadd.s32 $0xFFFFFFFF  }
0xa5: {  	s26 =	simm.s32 $execute0_lowered;
	[smem:$0x3FD2] =	sst s25  }
0xa6: {  	s4 =	sshll.u32 s26, $0x1;
	_ =	strace $0x80000046;
	[dreg:$0x1] =	wrdreg $0xFFFFFFFF  }
0xa7: {  	s28 =	simm.s32 $_size_execute0_lowered;
	s2 =	sadd.s32 s2, s4;
	[dreg:$0x0] =	wrdreg $0x0  }
0xa8: {  	s4 =	sshll.u32 s28, $0x1;
	[dreg:$0x2] =	wrdreg s2  }
0xa9: {  	[dreg:$0x3] =	wrdreg s4  }
0xaa: {  	[dreg:$0x4] =	wrdreg $0xC0  }
0xab: {  	_ =	task [dreg:s6], $0x5FFFF  }
0xac: {  	[dreg:$0x1] =	wrdreg $0xFFFFFFFF  }
0xad: {  	[dreg:$0x0] =	wrdreg $0x60  }
0xae: {  	[dreg:$0x2] =	wrdreg s24  }
0xaf: {  	[dreg:$0x3] =	wrdreg $0x9  }
0xb0: {  	_ =	task.clear_ibuf [dreg:s6], $0x4FFFF;
	_ =	strace $0x90000046  }
0xb1: {  	s29 =	simm.s32 $0x9;
	_ =	strace $0x80000048  }
0xb2: {  	_ =	swait.ge [sflag:s29], $0x1  }
0xb3: {  	[sflag:s29] =	ssyncadd.s32 $0xFFFFFFFF  }
0xb4: {  	_ =	strace $0x90000048  }
0xb5: {  	_ =	sfence  }
0xb6: {  	s30 =	sld [smem:$0x0];
	_ =	sdelay $0x2  }
0xb7: {  	s31 =	sshll.u32 s1, $0xD;
	s1 =	sshrl.u32 s1, $0x2  }
0xb8: {  	s3 =	sand.u32 $0x4000, s31;
	s1 =	sadd.s32 s1, s30  }
0xb9: {  	s0 =	sor.u32 s3, s0;
	s1 =	sshll.u32 s1, $0x11  }
0xba: {  	s0 =	sor.u32 s1, s0  }
0xbb: {  	s0 =	sadd.s32 $0x8F2B, s0  }
0xbc: {  	[sflag:s0] =	ssyncadd.remote.s32 $0x1  }
0xbd: {  	_ =	sfence.sel $0xFFFF  }
0xbe: {  	[dreg:$0x0] =	wrdreg $0xFFFFFFFF;
	(pc) =	sbr.abs _section_cstart, $3  }
0xbf: {  	[dreg:$0x1] =	wrdreg $0xFFFFFFFF  }
0xc0: {  	_ =	task.clear_ibuf [dreg:s6], $0x2FFFF;
	_ =	strace $0x9FFFFFFF  }
0xc1: {  	(tm) =	ssettm $0x7FFFFFFF  }
tec
execute0_lowered:
.L_overlay_start_1:
0x0: {  	(tag) =	ssettag $0x1  }
0x1: {  	s1 =	srdreg.scid  }
0x2: {  	s0 =	stileid.u32;
	s5 =	rddreg [dreg:$0x0];
	s7 =	simm.s32 $0x400  }
0x3: {  	s8 =	simm.s32 $0x1;
	s9 =	simm.s32 $0x2780;
	s10 =	simm.s32 $0x0  }
0x4: {  	s3 =	sand.u32 $0x1, s1;
	s29 =	sshrl.u32 s0, $0x2;
	s2 =	sshll.u32 s0, $0x8  }
0x5: {  	s4 =	smul.u32 $0x13C00, s29;
	s30 =	sshll.u32 s3, $0x7;
	s2 =	sand.u32 $0x300, s2  }
0x6: {  	s1 =	rddreg [dreg:$0x1];
	s3 =	ssub.s32 $0x2, s3;
	s6 =	sor.u32 s30, s2  }
0x7: {  	s2 =	simm.s32 $0x0;
	s31 =	sshrl.u32 s3, $0x1;
	s4 =	sor.u32 s4, s6  }
0x8: {  	[smem:$0x7FF] =	sst s2;
	s6 =	simm.s32 $0x80;
	s4 =	sshrl.u32 s4, $0x3  }
0x9: {  	_ =	strace $0x80000047;
	s4 =	sadd.s32 s4, s5;
	s5 =	ssub.s32 s3, s31  }
0xa: {  	v0 =	vimm.f32 $0.0e+00;
	v1 =	vimm.f32 $1.000000000e+00;
	s3 =	sadd.s32 $0x2C00, s4;
	s4 =	sadd.s32 $0xCA00, s4;
	s5 =	smax.u32 s5, $0x1  }
.LBB2_1:
0xb: {  	[tilespmem:s2], [sflag:$0x1] =	stream.strided.gather [hbm4b:s3+s6], $0x2780, s7, s6, $0x38;
	[tilespmem:$0x4F00] =	vst v63  }
0xc: {  	_ =	swait.ge [sflag:s8], $0x2780  }
0xd: {  	[sflag:s8] =	ssyncset.done $0x0  }
0xe: {  	s11 =	simm.s32 $0x0;
	[sflag:s8] =	ssyncadd.s32 $0xFFFFD880  }
.LBB2_2:
0xf: {  	p0 =	sne.s32 s11, $0x9DC0  }
.Ltmp0:
0x10: {  	_ = 	snop;
	(pc) =	sbr.rel @p0 .LBB2_2-.Ltmp0, $3  }
0x11: {  	_ =	sdelay $0x1  }
0x12: {  	s12 =	sshra.s32 s11, $0x2  }
0x13: {  	s11 =	sadd.s32 $0x40, s11;
	[tilespmem:s12+$0x2780] =	vst v0  }
0x14: {  	s12 =	simm.s32 $0x0;
	s11 =	simm.s32 $0x40  }
.LBB2_4:
0x15: {  	p0 =	sne.s32 s11, $0x9C00;
	v2 =	vld [tilespmem:s12+$0x0];
	_ =	sdelay $0x3  }
.Ltmp1:
0x16: {  	(pc) =	sbr.rel @p0 .LBB2_4-.Ltmp1, $2  }
0x17: {  	_ =	sdelay $0x2  }
0x18: {  	s12 =	sshra.s32 s11, $0x2;
	s11 =	sadd.s32 $0x40, s11;
	[tilespmem:v2+s9+$0x0] =	vst.idx.add.f32.msk $0xffff, v1  }
0x19: {  	v2 =	vld [tilespmem:s12+$0x0];
	_ =	sdelay $0x5  }
0x1a: {  	s10 =	sadd.s32 $0x1, s10  }
0x1b: {  	p0 =	sne.s32 s10, s5  }
.Ltmp2:
0x1c: {  	[tilespmem:v2+s9+$0x0] =	vst.idx.add.f32.msk $0xffff, v1;
	(pc) =	sbr.rel @p0 .LBB2_1-.Ltmp2, $4  }
0x1d: {  	[hbm4b:s4+s6] =	stream.strided.scatter [tilespmem:s9], [sflag:$0x1], $0x2780, s7, s6, $0x38;
	[tilespmem:$0x4F00] =	vst v63  }
0x1e: {  	_ =	swait.ge [sflag:s8], $0x2780  }
0x1f: {  	[sflag:s8] =	ssyncset.done $0x0  }
0x20: {  	[sflag:s8] =	ssyncadd.s32 $0xFFFFD880  }
0x21: {  	_ =	sfence.sel $0x180000  }
0x22: {  	[bflag:$0x0] =	sbarrier.arrive $0xFFFF  }
0x23: {  	p0 =	sne.s32 s0, $0x0;
	_ =	strace $0x90000047  }
0x24: {  	s0 =	sadd.s32 @!p0 $0x100000, s1;
	[bflag:$0x2] =	sbarrier.arrive $0xFFFF  }
0x25: {  	[sflag:s0] =	ssyncadd.tile.s32 @!p0 $0x1;
	_ =	shalt  }
.Lfunc_end2:
_tile_overlayer_lowered:
.L_overlay_start_2:
0x26: {  	(tag) =	ssettag $0x2  }
0x27: {  	s0 =	rddreg [dreg:$0x0];
	s2 =	stileid.u32  }
0x28: {  	s1 =	rddreg [dreg:$0x1];
	p0 =	sne.s32 s2, $0x0  }
0x29: {  	s3 =	rddreg [dreg:$0x2];
	[bflag:$0x3] =	sbarrier.arrive $0xFFFF;
	s2 =	simm.s32 @!p0 $0x1C01  }
0x2a: {  	[timem:s3], [sflag:s2] =	dma.local @!p0 [hbm:s0], s1  }
0x2b: {  	s0 =	simm.s32 @!p0 $0x1  }
0x2c: {  	_ =	swait.ge @!p0 [sflag:s0], s1  }
0x2d: {  	s1 =	ssub.s32 @!p0 $0x0, s1;
	[sflag:s0] =	ssyncset.done @!p0 $0x0  }
0x2e: {  	[sflag:s0] =	ssyncadd.s32 @!p0 s1  }
0x2f: {  	[bflag:$0x3] =	sbarrier.arrive $0xFFFF  }
0x30: {  	_ =	shalt  }

</sc_bundles>
